<compile_context>
chip_gen: v7x
topology: tpu7x:2x2x1
jax: 0.10.2.dev20260603
libtpu: 0.0.44.dev20260713+nightly
codegen_flags: <defaults>
</compile_context>

<pallas_src>
import functools

import jax
import jax.numpy as jnp
from jax import lax
from jax.experimental import pallas as pl
from jax.experimental.pallas import tpu as pltpu
from jax.experimental.pallas import tpu_sc as plsc

VOCAB = 1000000
TCB = 512
HALF = TCB * 977
D = 64
NW = 32
BQ = 4096
LQ = 200
NCH = BQ // NW
LANES = 16
IPAD = 208


def _tc_pack_kernel(w1_ref, w2_ref, eye_ref, o_ref):
    eye = eye_ref[...]
    dn = (((0,), (0,)), ((), ()))
    o_ref[:, 0:D] = lax.dot_general(w1_ref[...] * 8.0, eye, dn)
    o_ref[:, D:2 * D] = lax.dot_general(w2_ref[...] * 8.0, eye, dn)


def _tc_pack(wt):
    grid = HALF // TCB
    eye = jnp.eye(D, dtype=jnp.float32)
    return pl.pallas_call(
        _tc_pack_kernel,
        grid=(grid,),
        in_specs=[
            pl.BlockSpec((D, TCB), lambda c: (0, c)),
            pl.BlockSpec((D, TCB), lambda c: (0, c + HALF // TCB)),
            pl.BlockSpec((D, D), lambda c: (0, 0)),
        ],
        out_specs=pl.BlockSpec((TCB, 2 * D), lambda c: (c, 0)),
        out_shape=jax.ShapeDtypeStruct((HALF, 2 * D), jnp.float32),
    )(wt, wt, eye)


def _sc_gather_build():
    mesh = plsc.VectorSubcoreMesh(core_axis_name="c", subcore_axis_name="s")

    @functools.partial(
        pl.kernel,
        out_type=jax.ShapeDtypeStruct((BQ, LQ, 2 * D), jnp.float32),
        mesh=mesh,
        compiler_params=pltpu.CompilerParams(use_tc_tiling_on_sc=False),
        scratch_types=[
            pltpu.VMEM((IPAD,), jnp.int32),
            pltpu.VMEM((IPAD,), jnp.int32),
            pltpu.VMEM((IPAD,), jnp.int32),
            pltpu.VMEM((IPAD,), jnp.int32),
            pltpu.VMEM((LQ, D), jnp.float32),
            pltpu.VMEM((LQ, D), jnp.float32),
            pltpu.SemaphoreType.DMA,
            pltpu.SemaphoreType.DMA,
            pltpu.SemaphoreType.DMA,
            pltpu.SemaphoreType.DMA,
            pltpu.SemaphoreType.DMA,
            pltpu.SemaphoreType.DMA,
        ],
    )
    def emb_kernel(xp_hbm, tab_hbm, out_hbm, idx0, idx1, kx0, kx1, gb0, gb1,
                   si0, si1, sg0, sg1, sw0, sw1):
        wid = lax.axis_index("s") * 2 + lax.axis_index("c")
        b0 = wid * NCH
        idx_v = (idx0, idx1)
        kx = (kx0, kx1)
        gb = (gb0, gb1)
        si = (si0, si1)
        sg = (sg0, sg1)
        sw = (sw0, sw1)

        def start_fetch(g, p):
            pltpu.async_copy(
                xp_hbm.at[wid, g], idx_v[p].at[pl.ds(0, LQ)], si[p])

        def wait_fetch(g, p):
            pltpu.make_async_copy(
                xp_hbm.at[wid, g], idx_v[p].at[pl.ds(0, LQ)], si[p]).wait()

        def to_view_rows(p):
            def tbody(q, c):
                sl = pl.ds(q * LANES, LANES)
                iv = idx_v[p][sl]
                kx[p][sl] = iv * 2 - jnp.where(iv >= HALF, 2 * HALF - 1, 0)
                return c

            lax.fori_loop(0, IPAD // LANES, tbody, 0)

        def start_gather(p):
            pltpu.async_copy(
                tab_hbm.at[kx[p].at[pl.ds(0, LQ)]], gb[p], sg[p])

        def wait_gather(p):
            pltpu.make_async_copy(
                tab_hbm.at[kx[p].at[pl.ds(0, LQ)]], gb[p], sg[p]).wait()

        def start_wb(g, p):
            pltpu.async_copy(
                gb[p], out_hbm.at[b0 + g, :, pl.ds(0, D)], sw[p])

        def wait_wb(g, p):
            pltpu.make_async_copy(
                gb[p], out_hbm.at[b0 + g, :, pl.ds(0, D)], sw[p]).wait()

        def step(g, p):
            g1 = jnp.minimum(g + 1, NCH - 1)
            g2 = jnp.minimum(g + 2, NCH - 1)
            wait_fetch(g1, 1 - p)
            to_view_rows(1 - p)

            @pl.when(g >= 1)
            def _():
                wait_wb(g - 1, 1 - p)

            start_gather(1 - p)
            wait_gather(p)
            start_fetch(g2, p)
            start_wb(g, p)

        start_fetch(0, 0)
        wait_fetch(0, 0)
        to_view_rows(0)
        start_gather(0)
        start_fetch(1, 1)

        def group_body(t, c):
            step(2 * t, 0)
            step(2 * t + 1, 1)
            return c

        lax.fori_loop(0, NCH // 2, group_body, 0)
        wait_wb(NCH - 1, 1)
        wait_gather(0)
        wait_fetch(NCH - 1, 1)

    return emb_kernel


def kernel(x, embedding_weight):
    tab = _tc_pack(embedding_weight.T)
    tabv = tab.reshape(2 * HALF, D)
    xp = x.astype(jnp.int32).reshape(NW, NCH, LQ)
    o128 = _sc_gather_build()(xp, tabv)
    return o128[:, :, :D]

# --- scband reference (transcript-rebuilt; emitter-appended) ---
"""Pipeline reference for scband-token-embedding-80298708566742 (READ-ONLY COPY).

The authoritative reference and input builder live on the scoring server;
editing this copy changes nothing except your own understanding.
"""

import jax, jax.numpy as jnp
import numpy as np
import math

VOCAB = 1000000
D_MODEL = 64
B = 4096
L = 200

def setup_inputs(seed: int = 0) -> dict:
    key = jax.random.key(seed)
    k_idx, k_tab = jax.random.split(key)
    x = jax.random.randint(k_idx, (B, L), 0, VOCAB, dtype=jnp.int64 if jax.config.jax_enable_x64 else jnp.int32)
    embedding_weight = jax.random.normal(k_tab, (VOCAB, D_MODEL), dtype=jnp.float32) * 0.02
    return {"x": x, "embedding_weight": embedding_weight}

def reference(x, embedding_weight):
    # TokenEmbedding.forward: self.embedding(x) * sqrt(d_model)
    emb = jnp.take(embedding_weight, x, axis=0)
    return emb * math.sqrt(D_MODEL)

if __name__ == "__main__":
    import jax
    _d = setup_inputs()
    print(jax.jit(kernel)(*tuple(_d.values())))

</pallas_src>

<mosaic_0001>
#map = affine_map<(d0, d1) -> (0, 0, 0)>
#map1 = affine_map<(d0, d1) -> (0, 0)>
module attributes {stable_mosaic.version = 14 : i64} {
  func.func @emb_kernel(%arg0: i32, %arg1: i32, %arg2: memref<32x128x200xi32, #tpu.memory_space<hbm>>, %arg3: memref<1000448x64xf32, #tpu.memory_space<hbm>>, %arg4: memref<4096x200x128xf32, #tpu.memory_space<hbm>>, %arg5: memref<208xi32, #tpu.memory_space<vmem>>, %arg6: memref<208xi32, #tpu.memory_space<vmem>>, %arg7: memref<208xi32, #tpu.memory_space<vmem>>, %arg8: memref<208xi32, #tpu.memory_space<vmem>>, %arg9: memref<200x64xf32, #tpu.memory_space<vmem>>, %arg10: memref<200x64xf32, #tpu.memory_space<vmem>>, %arg11: memref<!tpu.dma_semaphore, #tpu.memory_space<semaphore_mem>>, %arg12: memref<!tpu.dma_semaphore, #tpu.memory_space<semaphore_mem>>, %arg13: memref<!tpu.dma_semaphore, #tpu.memory_space<semaphore_mem>>, %arg14: memref<!tpu.dma_semaphore, #tpu.memory_space<semaphore_mem>>, %arg15: memref<!tpu.dma_semaphore, #tpu.memory_space<semaphore_mem>>, %arg16: memref<!tpu.dma_semaphore, #tpu.memory_space<semaphore_mem>>) attributes {dimension_semantics = [#tpu.dimension_semantics<core_parallel>, #tpu.dimension_semantics<subcore_parallel>], iteration_bounds = array<i64: 2, 16>, scalar_prefetch = 0 : i64, scratch_operands = 12 : i64, tpu.core_type = #tpu.core_type<sc_vector_subcore>, window_params = [{transform_indices = #map}, {transform_indices = #map1}, {transform_indices = #map}]} {
    %mul3A = arith.constant 2 : i32
    %mul3A_0 = arith.muli %arg1, %mul3A : i32
    %add3A = arith.addi %mul3A_0, %arg0 : i32
    %mul3A_1 = arith.constant 128 : i32
    %mul3A_2 = arith.muli %add3A, %mul3A_1 : i32
    %dma_start3A = arith.constant 0 : i32
    %dma_start3A_3 = arith.constant 0 : i32
    %dma_start3A_4 = tpu.memref_slice %arg5[%dma_start3A_3] : memref<208xi32, #tpu.memory_space<vmem>> -> memref<200xi32, #tpu.memory_space<vmem>>
    %dma_start3A_5 = arith.constant 0 : i32
    %dma_start3A_6 = tpu.memref_slice %arg2[%add3A, %dma_start3A, %dma_start3A_5] : memref<32x128x200xi32, #tpu.memory_space<hbm>> -> memref<1x1x200xi32, #tpu.memory_space<hbm>>
    %dma_start3A_7 = tpu.memref_squeeze %dma_start3A_6 : memref<1x1x200xi32, #tpu.memory_space<hbm>> -> memref<200xi32, #tpu.memory_space<hbm>>
    %dma_start3A_8 = arith.constant 0 : i32
    %dma_start3A_9 = tpu.memref_slice %arg5[%dma_start3A_8] : memref<208xi32, #tpu.memory_space<vmem>> -> memref<200xi32, #tpu.memory_space<vmem>>
    %dma_start3A_10 = arith.constant 0 : i32
    %dma_start3A_11 = tpu.memref_slice %arg2[%add3A, %dma_start3A, %dma_start3A_10] : memref<32x128x200xi32, #tpu.memory_space<hbm>> -> memref<1x1x200xi32, #tpu.memory_space<hbm>>
    %dma_start3A_12 = tpu.memref_squeeze %dma_start3A_11 : memref<1x1x200xi32, #tpu.memory_space<hbm>> -> memref<200xi32, #tpu.memory_space<hbm>>
    tpu.enqueue_dma source(%dma_start3A_12 : memref<200xi32, #tpu.memory_space<hbm>>) target(%dma_start3A_9 : memref<200xi32, #tpu.memory_space<vmem>>) target_semaphore(%arg11 : memref<!tpu.dma_semaphore, #tpu.memory_space<semaphore_mem>>)
    %dma_wait3A = arith.constant 0 : i32
    %dma_wait3A_13 = arith.constant 0 : i32
    %dma_wait3A_14 = tpu.memref_slice %arg5[%dma_wait3A_13] : memref<208xi32, #tpu.memory_space<vmem>> -> memref<200xi32, #tpu.memory_space<vmem>>
    %dma_wait3A_15 = arith.constant 0 : i32
    %dma_wait3A_16 = tpu.memref_slice %arg2[%add3A, %dma_wait3A, %dma_wait3A_15] : memref<32x128x200xi32, #tpu.memory_space<hbm>> -> memref<1x1x200xi32, #tpu.memory_space<hbm>>
    %dma_wait3A_17 = tpu.memref_squeeze %dma_wait3A_16 : memref<1x1x200xi32, #tpu.memory_space<hbm>> -> memref<200xi32, #tpu.memory_space<hbm>>
    %dma_wait3A_18 = arith.constant 0 : i32
    %dma_wait3A_19 = tpu.memref_slice %arg5[%dma_wait3A_18] : memref<208xi32, #tpu.memory_space<vmem>> -> memref<200xi32, #tpu.memory_space<vmem>>
    %dma_wait3A_20 = arith.constant 0 : i32
    %dma_wait3A_21 = tpu.memref_slice %arg2[%add3A, %dma_wait3A, %dma_wait3A_20] : memref<32x128x200xi32, #tpu.memory_space<hbm>> -> memref<1x1x200xi32, #tpu.memory_space<hbm>>
    %dma_wait3A_22 = tpu.memref_squeeze %dma_wait3A_21 : memref<1x1x200xi32, #tpu.memory_space<hbm>> -> memref<200xi32, #tpu.memory_space<hbm>>
    tpu.wait_dma2 semaphore(%arg11 : memref<!tpu.dma_semaphore, #tpu.memory_space<semaphore_mem>>) src(%dma_wait3A_22 : memref<200xi32, #tpu.memory_space<hbm>>) dst(%dma_wait3A_19 : memref<200xi32, #tpu.memory_space<vmem>>)
    %scan3A = arith.constant 0 : i32
    %scan3A_23 = arith.constant 0 : i32
    %scan3A_24 = arith.constant 13 : i32
    %scan3A_25 = arith.addi %scan3A_23, %scan3A_24 : i32
    %scan3A_26 = arith.constant 1 : i32
    scf.for %scan3A_76 = %scan3A_23 to %scan3A_25 step %scan3A_26  : i32 {
      %mul3A_77 = arith.constant 16 : i32
      %mul3A_78 = arith.muli %scan3A_76, %mul3A_77 : i32
      %get3A = arith.index_cast %mul3A_78 : i32 to index
      %get3A_79 = tpu.vector_load %arg5[%get3A] {strides = array<i32>} : memref<208xi32, #tpu.memory_space<vmem>>, vector<16xi32>,
      %get3A_80 = vector.shape_cast %get3A_79 : vector<16xi32> to vector<16xi32>
      %mul3A_81 = arith.constant 2 : i32
      %mul3A_82 = vector.broadcast %mul3A_81 : i32 to vector<16xi32>
      %mul3A_83 = arith.muli %get3A_80, %mul3A_82 : vector<16xi32>
      %ge3A = arith.constant 500224 : i32
      %ge3A_84 = vector.broadcast %ge3A : i32 to vector<16xi32>
      %ge3A_85 = arith.cmpi sge, %get3A_80, %ge3A_84 : vector<16xi32>
      %jit3A = arith.constant 1000447 : i32
      %jit3A_86 = arith.constant 0 : i32
      %broadcast_in_dim3A = vector.broadcast %jit3A : i32 to vector<16xi32>
      %broadcast_in_dim3A_87 = vector.broadcast %jit3A_86 : i32 to vector<16xi32>
      %select_n3A = arith.select %ge3A_85, %broadcast_in_dim3A, %broadcast_in_dim3A_87 : vector<16xi1>, vector<16xi32>
      %sub3A = arith.subi %mul3A_83, %select_n3A : vector<16xi32>
      %swap3A = arith.index_cast %mul3A_78 : i32 to index
      %swap3A_88 = tpu.vector_load %arg7[%swap3A] {strides = array<i32>} : memref<208xi32, #tpu.memory_space<vmem>>, vector<16xi32>,
      %swap3A_89 = vector.shape_cast %swap3A_88 : vector<16xi32> to vector<16xi32>
      %swap3A_90 = vector.shape_cast %sub3A : vector<16xi32> to vector<16xi32>
      tpu.vector_store %arg7[%swap3A], %swap3A_90 {strides = array<i32>} : memref<208xi32, #tpu.memory_space<vmem>>, vector<16xi32>,
    }
    %scan3A_27 = arith.constant 13 : i32
    %dma_start3A_28 = arith.constant 0 : i32
    %dma_start3A_29 = tpu.memref_slice %arg7[%dma_start3A_28] : memref<208xi32, #tpu.memory_space<vmem>> -> memref<200xi32, #tpu.memory_space<vmem>>
    %dma_start3A_30 = arith.constant 0 : i32
    %dma_start3A_31 = arith.constant 0 : i32
    %dma_start3A_32 = tpu.memref_slice %arg3[%dma_start3A_30, %dma_start3A_31] : memref<1000448x64xf32, #tpu.memory_space<hbm>> -> memref<1000448x64xf32, #tpu.memory_space<hbm>>
    tpu.enqueue_indirect_dma source(%dma_start3A_32 : memref<1000448x64xf32, #tpu.memory_space<hbm>>) target(%arg9 : memref<200x64xf32, #tpu.memory_space<vmem>>) offsets(%dma_start3A_29 : memref<200xi32, #tpu.memory_space<vmem>>) semaphore(%arg13 : memref<!tpu.dma_semaphore, #tpu.memory_space<semaphore_mem>>)
    %dma_start3A_33 = arith.constant 1 : i32
    %dma_start3A_34 = arith.constant 0 : i32
    %dma_start3A_35 = tpu.memref_slice %arg6[%dma_start3A_34] : memref<208xi32, #tpu.memory_space<vmem>> -> memref<200xi32, #tpu.memory_space<vmem>>
    %dma_start3A_36 = arith.constant 0 : i32
    %dma_start3A_37 = tpu.memref_slice %arg2[%add3A, %dma_start3A_33, %dma_start3A_36] : memref<32x128x200xi32, #tpu.memory_space<hbm>> -> memref<1x1x200xi32, #tpu.memory_space<hbm>>
    %dma_start3A_38 = tpu.memref_squeeze %dma_start3A_37 : memref<1x1x200xi32, #tpu.memory_space<hbm>> -> memref<200xi32, #tpu.memory_space<hbm>>
    %dma_start3A_39 = arith.constant 0 : i32
    %dma_start3A_40 = tpu.memref_slice %arg6[%dma_start3A_39] : memref<208xi32, #tpu.memory_space<vmem>> -> memref<200xi32, #tpu.memory_space<vmem>>
    %dma_start3A_41 = arith.constant 0 : i32
    %dma_start3A_42 = tpu.memref_slice %arg2[%add3A, %dma_start3A_33, %dma_start3A_41] : memref<32x128x200xi32, #tpu.memory_space<hbm>> -> memref<1x1x200xi32, #tpu.memory_space<hbm>>
    %dma_start3A_43 = tpu.memref_squeeze %dma_start3A_42 : memref<1x1x200xi32, #tpu.memory_space<hbm>> -> memref<200xi32, #tpu.memory_space<hbm>>
    tpu.enqueue_dma source(%dma_start3A_43 : memref<200xi32, #tpu.memory_space<hbm>>) target(%dma_start3A_40 : memref<200xi32, #tpu.memory_space<vmem>>) target_semaphore(%arg12 : memref<!tpu.dma_semaphore, #tpu.memory_space<semaphore_mem>>)
    %scan3A_44 = arith.constant 0 : i32
    %scan3A_45 = arith.constant 0 : i32
    %scan3A_46 = arith.constant 64 : i32
    %scan3A_47 = arith.addi %scan3A_45, %scan3A_46 : i32
    %scan3A_48 = arith.constant 1 : i32
    scf.for %scan3A_76 = %scan3A_45 to %scan3A_47 step %scan3A_48  : i32 {
      %mul3A_77 = arith.constant 2 : i32
      %mul3A_78 = arith.muli %mul3A_77, %scan3A_76 : i32
      %add3A_79 = arith.constant 1 : i32
      %add3A_80 = arith.addi %mul3A_78, %add3A_79 : i32
      %min3A = arith.constant 127 : i32
      %min3A_81 = arith.minsi %add3A_80, %min3A : i32
      %add3A_82 = arith.constant 2 : i32
      %add3A_83 = arith.addi %mul3A_78, %add3A_82 : i32
      %min3A_84 = arith.constant 127 : i32
      %min3A_85 = arith.minsi %add3A_83, %min3A_84 : i32
      %dma_wait3A_86 = arith.constant 0 : i32
      %dma_wait3A_87 = tpu.memref_slice %arg6[%dma_wait3A_86] : memref<208xi32, #tpu.memory_space<vmem>> -> memref<200xi32, #tpu.memory_space<vmem>>
      %dma_wait3A_88 = arith.constant 0 : i32
      %dma_wait3A_89 = tpu.memref_slice %arg2[%add3A, %min3A_81, %dma_wait3A_88] : memref<32x128x200xi32, #tpu.memory_space<hbm>> -> memref<1x1x200xi32, #tpu.memory_space<hbm>>
      %dma_wait3A_90 = tpu.memref_squeeze %dma_wait3A_89 : memref<1x1x200xi32, #tpu.memory_space<hbm>> -> memref<200xi32, #tpu.memory_space<hbm>>
      %dma_wait3A_91 = arith.constant 0 : i32
      %dma_wait3A_92 = tpu.memref_slice %arg6[%dma_wait3A_91] : memref<208xi32, #tpu.memory_space<vmem>> -> memref<200xi32, #tpu.memory_space<vmem>>
      %dma_wait3A_93 = arith.constant 0 : i32
      %dma_wait3A_94 = tpu.memref_slice %arg2[%add3A, %min3A_81, %dma_wait3A_93] : memref<32x128x200xi32, #tpu.memory_space<hbm>> -> memref<1x1x200xi32, #tpu.memory_space<hbm>>
      %dma_wait3A_95 = tpu.memref_squeeze %dma_wait3A_94 : memref<1x1x200xi32, #tpu.memory_space<hbm>> -> memref<200xi32, #tpu.memory_space<hbm>>
      tpu.wait_dma2 semaphore(%arg12 : memref<!tpu.dma_semaphore, #tpu.memory_space<semaphore_mem>>) src(%dma_wait3A_95 : memref<200xi32, #tpu.memory_space<hbm>>) dst(%dma_wait3A_92 : memref<200xi32, #tpu.memory_space<vmem>>)
      %scan3A_96 = arith.constant 0 : i32
      %scan3A_97 = arith.constant 0 : i32
      %scan3A_98 = arith.constant 13 : i32
      %scan3A_99 = arith.addi %scan3A_97, %scan3A_98 : i32
      %scan3A_100 = arith.constant 1 : i32
      scf.for %scan3A_195 = %scan3A_97 to %scan3A_99 step %scan3A_100  : i32 {
        %mul3A_196 = arith.constant 16 : i32
        %mul3A_197 = arith.muli %scan3A_195, %mul3A_196 : i32
        %get3A = arith.index_cast %mul3A_197 : i32 to index
        %get3A_198 = tpu.vector_load %arg6[%get3A] {strides = array<i32>} : memref<208xi32, #tpu.memory_space<vmem>>, vector<16xi32>,
        %get3A_199 = vector.shape_cast %get3A_198 : vector<16xi32> to vector<16xi32>
        %mul3A_200 = arith.constant 2 : i32
        %mul3A_201 = vector.broadcast %mul3A_200 : i32 to vector<16xi32>
        %mul3A_202 = arith.muli %get3A_199, %mul3A_201 : vector<16xi32>
        %ge3A_203 = arith.constant 500224 : i32
        %ge3A_204 = vector.broadcast %ge3A_203 : i32 to vector<16xi32>
        %ge3A_205 = arith.cmpi sge, %get3A_199, %ge3A_204 : vector<16xi32>
        %jit3A = arith.constant 1000447 : i32
        %jit3A_206 = arith.constant 0 : i32
        %broadcast_in_dim3A = vector.broadcast %jit3A : i32 to vector<16xi32>
        %broadcast_in_dim3A_207 = vector.broadcast %jit3A_206 : i32 to vector<16xi32>
        %select_n3A = arith.select %ge3A_205, %broadcast_in_dim3A, %broadcast_in_dim3A_207 : vector<16xi1>, vector<16xi32>
        %sub3A = arith.subi %mul3A_202, %select_n3A : vector<16xi32>
        %swap3A = arith.index_cast %mul3A_197 : i32 to index
        %swap3A_208 = tpu.vector_load %arg8[%swap3A] {strides = array<i32>} : memref<208xi32, #tpu.memory_space<vmem>>, vector<16xi32>,
        %swap3A_209 = vector.shape_cast %swap3A_208 : vector<16xi32> to vector<16xi32>
        %swap3A_210 = vector.shape_cast %sub3A : vector<16xi32> to vector<16xi32>
        tpu.vector_store %arg8[%swap3A], %swap3A_210 {strides = array<i32>} : memref<208xi32, #tpu.memory_space<vmem>>, vector<16xi32>,
      }
      %scan3A_101 = arith.constant 13 : i32
      %ge3A = arith.constant 1 : i32
      %ge3A_102 = arith.cmpi sge, %mul3A_78, %ge3A : i32
      %convert_element_type3A = arith.extui %ge3A_102 : i1 to i32
      %cond3A = arith.constant 0 : i32
      %cond3A_103 = arith.cmpi ne, %convert_element_type3A, %cond3A : i32
      scf.if %cond3A_103 {
        %sub3A = arith.constant 1 : i32
        %sub3A_195 = arith.subi %mul3A_78, %sub3A : i32
        %add3A_196 = arith.addi %mul3A_2, %sub3A_195 : i32
        %dma_wait3A_197 = arith.constant 0 : i32
        %dma_wait3A_198 = arith.constant 0 : i32
        %dma_wait3A_199 = tpu.memref_slice %arg4[%add3A_196, %dma_wait3A_197, %dma_wait3A_198] : memref<4096x200x128xf32, #tpu.memory_space<hbm>> -> memref<1x200x64xf32, #tpu.memory_space<hbm>>
        %dma_wait3A_200 = tpu.memref_squeeze %dma_wait3A_199 : memref<1x200x64xf32, #tpu.memory_space<hbm>> -> memref<200x64xf32, #tpu.memory_space<hbm>>
        %dma_wait3A_201 = arith.constant 0 : i32
        %dma_wait3A_202 = arith.constant 0 : i32
        %dma_wait3A_203 = tpu.memref_slice %arg4[%add3A_196, %dma_wait3A_201, %dma_wait3A_202] : memref<4096x200x128xf32, #tpu.memory_space<hbm>> -> memref<1x200x64xf32, #tpu.memory_space<hbm>>
        %dma_wait3A_204 = tpu.memref_squeeze %dma_wait3A_203 : memref<1x200x64xf32, #tpu.memory_space<hbm>> -> memref<200x64xf32, #tpu.memory_space<hbm>>
        tpu.wait_dma2 semaphore(%arg16 : memref<!tpu.dma_semaphore, #tpu.memory_space<semaphore_mem>>) src(%arg10 : memref<200x64xf32, #tpu.memory_space<vmem>>) dst(%dma_wait3A_204 : memref<200x64xf32, #tpu.memory_space<hbm>>)
      } else {
      }
      %dma_start3A_104 = arith.constant 0 : i32
      %dma_start3A_105 = tpu.memref_slice %arg8[%dma_start3A_104] : memref<208xi32, #tpu.memory_space<vmem>> -> memref<200xi32, #tpu.memory_space<vmem>>
      %dma_start3A_106 = arith.constant 0 : i32
      %dma_start3A_107 = arith.constant 0 : i32
      %dma_start3A_108 = tpu.memref_slice %arg3[%dma_start3A_106, %dma_start3A_107] : memref<1000448x64xf32, #tpu.memory_space<hbm>> -> memref<1000448x64xf32, #tpu.memory_space<hbm>>
      tpu.enqueue_indirect_dma source(%dma_start3A_108 : memref<1000448x64xf32, #tpu.memory_space<hbm>>) target(%arg10 : memref<200x64xf32, #tpu.memory_space<vmem>>) offsets(%dma_start3A_105 : memref<200xi32, #tpu.memory_space<vmem>>) semaphore(%arg14 : memref<!tpu.dma_semaphore, #tpu.memory_space<semaphore_mem>>)
      %dma_wait3A_109 = arith.constant 0 : i32
      %dma_wait3A_110 = tpu.memref_slice %arg7[%dma_wait3A_109] : memref<208xi32, #tpu.memory_space<vmem>> -> memref<200xi32, #tpu.memory_space<vmem>>
      %dma_wait3A_111 = arith.constant 0 : i32
      %dma_wait3A_112 = arith.constant 0 : i32
      %dma_wait3A_113 = tpu.memref_slice %arg3[%dma_wait3A_111, %dma_wait3A_112] : memref<1000448x64xf32, #tpu.memory_space<hbm>> -> memref<1000448x64xf32, #tpu.memory_space<hbm>>
      tpu.wait_indirect_dma semaphore(%arg13 : memref<!tpu.dma_semaphore, #tpu.memory_space<semaphore_mem>>) src(%dma_wait3A_113 : memref<1000448x64xf32, #tpu.memory_space<hbm>>) dst(%arg9 : memref<200x64xf32, #tpu.memory_space<vmem>>)
      %dma_start3A_114 = arith.constant 0 : i32
      %dma_start3A_115 = tpu.memref_slice %arg5[%dma_start3A_114] : memref<208xi32, #tpu.memory_space<vmem>> -> memref<200xi32, #tpu.memory_space<vmem>>
      %dma_start3A_116 = arith.constant 0 : i32
      %dma_start3A_117 = tpu.memref_slice %arg2[%add3A, %min3A_85, %dma_start3A_116] : memref<32x128x200xi32, #tpu.memory_space<hbm>> -> memref<1x1x200xi32, #tpu.memory_space<hbm>>
      %dma_start3A_118 = tpu.memref_squeeze %dma_start3A_117 : memref<1x1x200xi32, #tpu.memory_space<hbm>> -> memref<200xi32, #tpu.memory_space<hbm>>
      %dma_start3A_119 = arith.constant 0 : i32
      %dma_start3A_120 = tpu.memref_slice %arg5[%dma_start3A_119] : memref<208xi32, #tpu.memory_space<vmem>> -> memref<200xi32, #tpu.memory_space<vmem>>
      %dma_start3A_121 = arith.constant 0 : i32
      %dma_start3A_122 = tpu.memref_slice %arg2[%add3A, %min3A_85, %dma_start3A_121] : memref<32x128x200xi32, #tpu.memory_space<hbm>> -> memref<1x1x200xi32, #tpu.memory_space<hbm>>
      %dma_start3A_123 = tpu.memref_squeeze %dma_start3A_122 : memref<1x1x200xi32, #tpu.memory_space<hbm>> -> memref<200xi32, #tpu.memory_space<hbm>>
      tpu.enqueue_dma source(%dma_start3A_123 : memref<200xi32, #tpu.memory_space<hbm>>) target(%dma_start3A_120 : memref<200xi32, #tpu.memory_space<vmem>>) target_semaphore(%arg11 : memref<!tpu.dma_semaphore, #tpu.memory_space<semaphore_mem>>)
      %add3A_124 = arith.addi %mul3A_2, %mul3A_78 : i32
      %dma_start3A_125 = arith.constant 0 : i32
      %dma_start3A_126 = arith.constant 0 : i32
      %dma_start3A_127 = tpu.memref_slice %arg4[%add3A_124, %dma_start3A_125, %dma_start3A_126] : memref<4096x200x128xf32, #tpu.memory_space<hbm>> -> memref<1x200x64xf32, #tpu.memory_space<hbm>>
      %dma_start3A_128 = tpu.memref_squeeze %dma_start3A_127 : memref<1x200x64xf32, #tpu.memory_space<hbm>> -> memref<200x64xf32, #tpu.memory_space<hbm>>
      %dma_start3A_129 = arith.constant 0 : i32
      %dma_start3A_130 = arith.constant 0 : i32
      %dma_start3A_131 = tpu.memref_slice %arg4[%add3A_124, %dma_start3A_129, %dma_start3A_130] : memref<4096x200x128xf32, #tpu.memory_space<hbm>> -> memref<1x200x64xf32, #tpu.memory_space<hbm>>
      %dma_start3A_132 = tpu.memref_squeeze %dma_start3A_131 : memref<1x200x64xf32, #tpu.memory_space<hbm>> -> memref<200x64xf32, #tpu.memory_space<hbm>>
      tpu.enqueue_dma source(%arg9 : memref<200x64xf32, #tpu.memory_space<vmem>>) target(%dma_start3A_132 : memref<200x64xf32, #tpu.memory_space<hbm>>) target_semaphore(%arg15 : memref<!tpu.dma_semaphore, #tpu.memory_space<semaphore_mem>>)
      %mul3A_133 = arith.constant 2 : i32
      %mul3A_134 = arith.muli %mul3A_133, %scan3A_76 : i32
      %add3A_135 = arith.constant 1 : i32
      %add3A_136 = arith.addi %mul3A_134, %add3A_135 : i32
      %add3A_137 = arith.constant 1 : i32
      %add3A_138 = arith.addi %add3A_136, %add3A_137 : i32
      %min3A_139 = arith.constant 127 : i32
      %min3A_140 = arith.minsi %add3A_138, %min3A_139 : i32
      %add3A_141 = arith.constant 2 : i32
      %add3A_142 = arith.addi %add3A_136, %add3A_141 : i32
      %min3A_143 = arith.constant 127 : i32
      %min3A_144 = arith.minsi %add3A_142, %min3A_143 : i32
      %dma_wait3A_145 = arith.constant 0 : i32
      %dma_wait3A_146 = tpu.memref_slice %arg5[%dma_wait3A_145] : memref<208xi32, #tpu.memory_space<vmem>> -> memref<200xi32, #tpu.memory_space<vmem>>
      %dma_wait3A_147 = arith.constant 0 : i32
      %dma_wait3A_148 = tpu.memref_slice %arg2[%add3A, %min3A_140, %dma_wait3A_147] : memref<32x128x200xi32, #tpu.memory_space<hbm>> -> memref<1x1x200xi32, #tpu.memory_space<hbm>>
      %dma_wait3A_149 = tpu.memref_squeeze %dma_wait3A_148 : memref<1x1x200xi32, #tpu.memory_space<hbm>> -> memref<200xi32, #tpu.memory_space<hbm>>
      %dma_wait3A_150 = arith.constant 0 : i32
      %dma_wait3A_151 = tpu.memref_slice %arg5[%dma_wait3A_150] : memref<208xi32, #tpu.memory_space<vmem>> -> memref<200xi32, #tpu.memory_space<vmem>>
      %dma_wait3A_152 = arith.constant 0 : i32
      %dma_wait3A_153 = tpu.memref_slice %arg2[%add3A, %min3A_140, %dma_wait3A_152] : memref<32x128x200xi32, #tpu.memory_space<hbm>> -> memref<1x1x200xi32, #tpu.memory_space<hbm>>
      %dma_wait3A_154 = tpu.memref_squeeze %dma_wait3A_153 : memref<1x1x200xi32, #tpu.memory_space<hbm>> -> memref<200xi32, #tpu.memory_space<hbm>>
      tpu.wait_dma2 semaphore(%arg11 : memref<!tpu.dma_semaphore, #tpu.memory_space<semaphore_mem>>) src(%dma_wait3A_154 : memref<200xi32, #tpu.memory_space<hbm>>) dst(%dma_wait3A_151 : memref<200xi32, #tpu.memory_space<vmem>>)
      %scan3A_155 = arith.constant 0 : i32
      %scan3A_156 = arith.constant 0 : i32
      %scan3A_157 = arith.constant 13 : i32
      %scan3A_158 = arith.addi %scan3A_156, %scan3A_157 : i32
      %scan3A_159 = arith.constant 1 : i32
      scf.for %scan3A_195 = %scan3A_156 to %scan3A_158 step %scan3A_159  : i32 {
        %mul3A_196 = arith.constant 16 : i32
        %mul3A_197 = arith.muli %scan3A_195, %mul3A_196 : i32
        %get3A = arith.index_cast %mul3A_197 : i32 to index
        %get3A_198 = tpu.vector_load %arg5[%get3A] {strides = array<i32>} : memref<208xi32, #tpu.memory_space<vmem>>, vector<16xi32>,
        %get3A_199 = vector.shape_cast %get3A_198 : vector<16xi32> to vector<16xi32>
        %mul3A_200 = arith.constant 2 : i32
        %mul3A_201 = vector.broadcast %mul3A_200 : i32 to vector<16xi32>
        %mul3A_202 = arith.muli %get3A_199, %mul3A_201 : vector<16xi32>
        %ge3A_203 = arith.constant 500224 : i32
        %ge3A_204 = vector.broadcast %ge3A_203 : i32 to vector<16xi32>
        %ge3A_205 = arith.cmpi sge, %get3A_199, %ge3A_204 : vector<16xi32>
        %jit3A = arith.constant 1000447 : i32
        %jit3A_206 = arith.constant 0 : i32
        %broadcast_in_dim3A = vector.broadcast %jit3A : i32 to vector<16xi32>
        %broadcast_in_dim3A_207 = vector.broadcast %jit3A_206 : i32 to vector<16xi32>
        %select_n3A = arith.select %ge3A_205, %broadcast_in_dim3A, %broadcast_in_dim3A_207 : vector<16xi1>, vector<16xi32>
        %sub3A = arith.subi %mul3A_202, %select_n3A : vector<16xi32>
        %swap3A = arith.index_cast %mul3A_197 : i32 to index
        %swap3A_208 = tpu.vector_load %arg7[%swap3A] {strides = array<i32>} : memref<208xi32, #tpu.memory_space<vmem>>, vector<16xi32>,
        %swap3A_209 = vector.shape_cast %swap3A_208 : vector<16xi32> to vector<16xi32>
        %swap3A_210 = vector.shape_cast %sub3A : vector<16xi32> to vector<16xi32>
        tpu.vector_store %arg7[%swap3A], %swap3A_210 {strides = array<i32>} : memref<208xi32, #tpu.memory_space<vmem>>, vector<16xi32>,
      }
      %scan3A_160 = arith.constant 13 : i32
      %ge3A_161 = arith.constant 1 : i32
      %ge3A_162 = arith.cmpi sge, %add3A_136, %ge3A_161 : i32
      %convert_element_type3A_163 = arith.extui %ge3A_162 : i1 to i32
      %cond3A_164 = arith.constant 0 : i32
      %cond3A_165 = arith.cmpi ne, %convert_element_type3A_163, %cond3A_164 : i32
      scf.if %cond3A_165 {
        %sub3A = arith.constant 1 : i32
        %sub3A_195 = arith.subi %add3A_136, %sub3A : i32
        %add3A_196 = arith.addi %mul3A_2, %sub3A_195 : i32
        %dma_wait3A_197 = arith.constant 0 : i32
        %dma_wait3A_198 = arith.constant 0 : i32
        %dma_wait3A_199 = tpu.memref_slice %arg4[%add3A_196, %dma_wait3A_197, %dma_wait3A_198] : memref<4096x200x128xf32, #tpu.memory_space<hbm>> -> memref<1x200x64xf32, #tpu.memory_space<hbm>>
        %dma_wait3A_200 = tpu.memref_squeeze %dma_wait3A_199 : memref<1x200x64xf32, #tpu.memory_space<hbm>> -> memref<200x64xf32, #tpu.memory_space<hbm>>
        %dma_wait3A_201 = arith.constant 0 : i32
        %dma_wait3A_202 = arith.constant 0 : i32
        %dma_wait3A_203 = tpu.memref_slice %arg4[%add3A_196, %dma_wait3A_201, %dma_wait3A_202] : memref<4096x200x128xf32, #tpu.memory_space<hbm>> -> memref<1x200x64xf32, #tpu.memory_space<hbm>>
        %dma_wait3A_204 = tpu.memref_squeeze %dma_wait3A_203 : memref<1x200x64xf32, #tpu.memory_space<hbm>> -> memref<200x64xf32, #tpu.memory_space<hbm>>
        tpu.wait_dma2 semaphore(%arg15 : memref<!tpu.dma_semaphore, #tpu.memory_space<semaphore_mem>>) src(%arg9 : memref<200x64xf32, #tpu.memory_space<vmem>>) dst(%dma_wait3A_204 : memref<200x64xf32, #tpu.memory_space<hbm>>)
      } else {
      }
      %dma_start3A_166 = arith.constant 0 : i32
      %dma_start3A_167 = tpu.memref_slice %arg7[%dma_start3A_166] : memref<208xi32, #tpu.memory_space<vmem>> -> memref<200xi32, #tpu.memory_space<vmem>>
      %dma_start3A_168 = arith.constant 0 : i32
      %dma_start3A_169 = arith.constant 0 : i32
      %dma_start3A_170 = tpu.memref_slice %arg3[%dma_start3A_168, %dma_start3A_169] : memref<1000448x64xf32, #tpu.memory_space<hbm>> -> memref<1000448x64xf32, #tpu.memory_space<hbm>>
      tpu.enqueue_indirect_dma source(%dma_start3A_170 : memref<1000448x64xf32, #tpu.memory_space<hbm>>) target(%arg9 : memref<200x64xf32, #tpu.memory_space<vmem>>) offsets(%dma_start3A_167 : memref<200xi32, #tpu.memory_space<vmem>>) semaphore(%arg13 : memref<!tpu.dma_semaphore, #tpu.memory_space<semaphore_mem>>)
      %dma_wait3A_171 = arith.constant 0 : i32
      %dma_wait3A_172 = tpu.memref_slice %arg8[%dma_wait3A_171] : memref<208xi32, #tpu.memory_space<vmem>> -> memref<200xi32, #tpu.memory_space<vmem>>
      %dma_wait3A_173 = arith.constant 0 : i32
      %dma_wait3A_174 = arith.constant 0 : i32
      %dma_wait3A_175 = tpu.memref_slice %arg3[%dma_wait3A_173, %dma_wait3A_174] : memref<1000448x64xf32, #tpu.memory_space<hbm>> -> memref<1000448x64xf32, #tpu.memory_space<hbm>>
      tpu.wait_indirect_dma semaphore(%arg14 : memref<!tpu.dma_semaphore, #tpu.memory_space<semaphore_mem>>) src(%dma_wait3A_175 : memref<1000448x64xf32, #tpu.memory_space<hbm>>) dst(%arg10 : memref<200x64xf32, #tpu.memory_space<vmem>>)
      %dma_start3A_176 = arith.constant 0 : i32
      %dma_start3A_177 = tpu.memref_slice %arg6[%dma_start3A_176] : memref<208xi32, #tpu.memory_space<vmem>> -> memref<200xi32, #tpu.memory_space<vmem>>
      %dma_start3A_178 = arith.constant 0 : i32
      %dma_start3A_179 = tpu.memref_slice %arg2[%add3A, %min3A_144, %dma_start3A_178] : memref<32x128x200xi32, #tpu.memory_space<hbm>> -> memref<1x1x200xi32, #tpu.memory_space<hbm>>
      %dma_start3A_180 = tpu.memref_squeeze %dma_start3A_179 : memref<1x1x200xi32, #tpu.memory_space<hbm>> -> memref<200xi32, #tpu.memory_space<hbm>>
      %dma_start3A_181 = arith.constant 0 : i32
      %dma_start3A_182 = tpu.memref_slice %arg6[%dma_start3A_181] : memref<208xi32, #tpu.memory_space<vmem>> -> memref<200xi32, #tpu.memory_space<vmem>>
      %dma_start3A_183 = arith.constant 0 : i32
      %dma_start3A_184 = tpu.memref_slice %arg2[%add3A, %min3A_144, %dma_start3A_183] : memref<32x128x200xi32, #tpu.memory_space<hbm>> -> memref<1x1x200xi32, #tpu.memory_space<hbm>>
      %dma_start3A_185 = tpu.memref_squeeze %dma_start3A_184 : memref<1x1x200xi32, #tpu.memory_space<hbm>> -> memref<200xi32, #tpu.memory_space<hbm>>
      tpu.enqueue_dma source(%dma_start3A_185 : memref<200xi32, #tpu.memory_space<hbm>>) target(%dma_start3A_182 : memref<200xi32, #tpu.memory_space<vmem>>) target_semaphore(%arg12 : memref<!tpu.dma_semaphore, #tpu.memory_space<semaphore_mem>>)
      %add3A_186 = arith.addi %mul3A_2, %add3A_136 : i32
      %dma_start3A_187 = arith.constant 0 : i32
      %dma_start3A_188 = arith.constant 0 : i32
      %dma_start3A_189 = tpu.memref_slice %arg4[%add3A_186, %dma_start3A_187, %dma_start3A_188] : memref<4096x200x128xf32, #tpu.memory_space<hbm>> -> memref<1x200x64xf32, #tpu.memory_space<hbm>>
      %dma_start3A_190 = tpu.memref_squeeze %dma_start3A_189 : memref<1x200x64xf32, #tpu.memory_space<hbm>> -> memref<200x64xf32, #tpu.memory_space<hbm>>
      %dma_start3A_191 = arith.constant 0 : i32
      %dma_start3A_192 = arith.constant 0 : i32
      %dma_start3A_193 = tpu.memref_slice %arg4[%add3A_186, %dma_start3A_191, %dma_start3A_192] : memref<4096x200x128xf32, #tpu.memory_space<hbm>> -> memref<1x200x64xf32, #tpu.memory_space<hbm>>
      %dma_start3A_194 = tpu.memref_squeeze %dma_start3A_193 : memref<1x200x64xf32, #tpu.memory_space<hbm>> -> memref<200x64xf32, #tpu.memory_space<hbm>>
      tpu.enqueue_dma source(%arg10 : memref<200x64xf32, #tpu.memory_space<vmem>>) target(%dma_start3A_194 : memref<200x64xf32, #tpu.memory_space<hbm>>) target_semaphore(%arg16 : memref<!tpu.dma_semaphore, #tpu.memory_space<semaphore_mem>>)
    }
    %scan3A_49 = arith.constant 64 : i32
    %add3A_50 = arith.constant 127 : i32
    %add3A_51 = arith.addi %mul3A_2, %add3A_50 : i32
    %dma_wait3A_52 = arith.constant 0 : i32
    %dma_wait3A_53 = arith.constant 0 : i32
    %dma_wait3A_54 = tpu.memref_slice %arg4[%add3A_51, %dma_wait3A_52, %dma_wait3A_53] : memref<4096x200x128xf32, #tpu.memory_space<hbm>> -> memref<1x200x64xf32, #tpu.memory_space<hbm>>
    %dma_wait3A_55 = tpu.memref_squeeze %dma_wait3A_54 : memref<1x200x64xf32, #tpu.memory_space<hbm>> -> memref<200x64xf32, #tpu.memory_space<hbm>>
    %dma_wait3A_56 = arith.constant 0 : i32
    %dma_wait3A_57 = arith.constant 0 : i32
    %dma_wait3A_58 = tpu.memref_slice %arg4[%add3A_51, %dma_wait3A_56, %dma_wait3A_57] : memref<4096x200x128xf32, #tpu.memory_space<hbm>> -> memref<1x200x64xf32, #tpu.memory_space<hbm>>
    %dma_wait3A_59 = tpu.memref_squeeze %dma_wait3A_58 : memref<1x200x64xf32, #tpu.memory_space<hbm>> -> memref<200x64xf32, #tpu.memory_space<hbm>>
    tpu.wait_dma2 semaphore(%arg16 : memref<!tpu.dma_semaphore, #tpu.memory_space<semaphore_mem>>) src(%arg10 : memref<200x64xf32, #tpu.memory_space<vmem>>) dst(%dma_wait3A_59 : memref<200x64xf32, #tpu.memory_space<hbm>>)
    %dma_wait3A_60 = arith.constant 0 : i32
    %dma_wait3A_61 = tpu.memref_slice %arg7[%dma_wait3A_60] : memref<208xi32, #tpu.memory_space<vmem>> -> memref<200xi32, #tpu.memory_space<vmem>>
    %dma_wait3A_62 = arith.constant 0 : i32
    %dma_wait3A_63 = arith.constant 0 : i32
    %dma_wait3A_64 = tpu.memref_slice %arg3[%dma_wait3A_62, %dma_wait3A_63] : memref<1000448x64xf32, #tpu.memory_space<hbm>> -> memref<1000448x64xf32, #tpu.memory_space<hbm>>
    tpu.wait_indirect_dma semaphore(%arg13 : memref<!tpu.dma_semaphore, #tpu.memory_space<semaphore_mem>>) src(%dma_wait3A_64 : memref<1000448x64xf32, #tpu.memory_space<hbm>>) dst(%arg9 : memref<200x64xf32, #tpu.memory_space<vmem>>)
    %dma_wait3A_65 = arith.constant 127 : i32
    %dma_wait3A_66 = arith.constant 0 : i32
    %dma_wait3A_67 = tpu.memref_slice %arg6[%dma_wait3A_66] : memref<208xi32, #tpu.memory_space<vmem>> -> memref<200xi32, #tpu.memory_space<vmem>>
    %dma_wait3A_68 = arith.constant 0 : i32
    %dma_wait3A_69 = tpu.memref_slice %arg2[%add3A, %dma_wait3A_65, %dma_wait3A_68] : memref<32x128x200xi32, #tpu.memory_space<hbm>> -> memref<1x1x200xi32, #tpu.memory_space<hbm>>
    %dma_wait3A_70 = tpu.memref_squeeze %dma_wait3A_69 : memref<1x1x200xi32, #tpu.memory_space<hbm>> -> memref<200xi32, #tpu.memory_space<hbm>>
    %dma_wait3A_71 = arith.constant 0 : i32
    %dma_wait3A_72 = tpu.memref_slice %arg6[%dma_wait3A_71] : memref<208xi32, #tpu.memory_space<vmem>> -> memref<200xi32, #tpu.memory_space<vmem>>
    %dma_wait3A_73 = arith.constant 0 : i32
    %dma_wait3A_74 = tpu.memref_slice %arg2[%add3A, %dma_wait3A_65, %dma_wait3A_73] : memref<32x128x200xi32, #tpu.memory_space<hbm>> -> memref<1x1x200xi32, #tpu.memory_space<hbm>>
    %dma_wait3A_75 = tpu.memref_squeeze %dma_wait3A_74 : memref<1x1x200xi32, #tpu.memory_space<hbm>> -> memref<200xi32, #tpu.memory_space<hbm>>
    tpu.wait_dma2 semaphore(%arg12 : memref<!tpu.dma_semaphore, #tpu.memory_space<semaphore_mem>>) src(%dma_wait3A_75 : memref<200xi32, #tpu.memory_space<hbm>>) dst(%dma_wait3A_72 : memref<200xi32, #tpu.memory_space<vmem>>)
    return
  }
}

module attributes {stable_mosaic.version = 14 : i64} {
  func.func @_tc_pack_kernel(%arg0: i32, %arg1: memref<64x512xf32, #tpu.memory_space<vmem>>, %arg2: memref<64x512xf32, #tpu.memory_space<vmem>>, %arg3: memref<64x64xf32, #tpu.memory_space<vmem>>, %arg4: memref<512x128xf32, #tpu.memory_space<vmem>>) attributes {dimension_semantics = [#tpu.dimension_semantics<arbitrary>], iteration_bounds = array<i64: 977>, scalar_prefetch = 0 : i64, scratch_operands = 0 : i64, tpu.core_type = #tpu.core_type<tc>, window_params = [{transform_indices = @transform_0, window_bounds = array<i64: 64, 512>}, {transform_indices = @transform_1, window_bounds = array<i64: 64, 512>}, {pipeline_mode = #tpu.pipeline_mode<synchronous>, transform_indices = @transform_2, window_bounds = array<i64: 64, 64>}, {transform_indices = @transform_3, window_bounds = array<i64: 512, 128>}]} {
    %get3A = arith.constant 0 : index
    %get3A_0 = arith.constant 0 : index
    %get3A_1 = vector.load %arg3[%get3A, %get3A_0] : memref<64x64xf32, #tpu.memory_space<vmem>>, vector<64x64xf32>
    %get3A_2 = arith.constant 0 : index
    %get3A_3 = arith.constant 0 : index
    %get3A_4 = vector.load %arg1[%get3A_2, %get3A_3] : memref<64x512xf32, #tpu.memory_space<vmem>>, vector<64x512xf32>
    %mul3A = arith.constant 8.000000e+00 : f32
    %mul3A_5 = vector.broadcast %mul3A : f32 to vector<64x512xf32>
    %mul3A_6 = arith.mulf %get3A_4, %mul3A_5 : vector<64x512xf32>
    %dot_general3A = arith.constant dense<0.000000e+00> : vector<512x64xf32>
    %dot_general3A_7 = tpu.matmul %mul3A_6, %get3A_1, %dot_general3A {dimension_numbers = #tpu.dot_dimension_numbers<[0], [0], [1], [1], [0, 1, 1, 1], [], []>, transpose_lhs_hint = false} : vector<64x512xf32>, vector<64x64xf32>, vector<512x64xf32> -> vector<512x64xf32>
    %swap3A = arith.constant 0 : index
    %swap3A_8 = arith.constant 0 : index
    %swap3A_9 = vector.load %arg4[%swap3A, %swap3A_8] : memref<512x128xf32, #tpu.memory_space<vmem>>, vector<512x64xf32>
    tpu.vector_store %arg4[%swap3A, %swap3A_8], %dot_general3A_7 {strides = array<i32>} : memref<512x128xf32, #tpu.memory_space<vmem>>, vector<512x64xf32>,
    %get3A_10 = arith.constant 0 : index
    %get3A_11 = arith.constant 0 : index
    %get3A_12 = vector.load %arg2[%get3A_10, %get3A_11] : memref<64x512xf32, #tpu.memory_space<vmem>>, vector<64x512xf32>
    %mul3A_13 = arith.constant 8.000000e+00 : f32
    %mul3A_14 = vector.broadcast %mul3A_13 : f32 to vector<64x512xf32>
    %mul3A_15 = arith.mulf %get3A_12, %mul3A_14 : vector<64x512xf32>
    %dot_general3A_16 = arith.constant dense<0.000000e+00> : vector<512x64xf32>
    %dot_general3A_17 = tpu.matmul %mul3A_15, %get3A_1, %dot_general3A_16 {dimension_numbers = #tpu.dot_dimension_numbers<[0], [0], [1], [1], [0, 1, 1, 1], [], []>, transpose_lhs_hint = false} : vector<64x512xf32>, vector<64x64xf32>, vector<512x64xf32> -> vector<512x64xf32>
    %swap3A_18 = arith.constant 0 : index
    %swap3A_19 = arith.constant 64 : index
    %swap3A_20 = vector.load %arg4[%swap3A_18, %swap3A_19] : memref<512x128xf32, #tpu.memory_space<vmem>>, vector<512x64xf32>
    tpu.vector_store %arg4[%swap3A_18, %swap3A_19], %dot_general3A_17 {strides = array<i32>} : memref<512x128xf32, #tpu.memory_space<vmem>>, vector<512x64xf32>,
    return
  }
  func.func @transform_0(%arg0: i32) -> (i32, i32) {
    %c0_i32 = arith.constant 0 : i32
    %c0_i32_0 = arith.constant 0 : i32
    return %c0_i32, %arg0 : i32, i32
  }
  func.func @transform_1(%arg0: i32) -> (i32, i32) {
    %add3A = arith.constant 977 : i32
    %add3A_0 = arith.addi %arg0, %add3A : i32
    %c0_i32 = arith.constant 0 : i32
    %c0_i32_1 = arith.constant 0 : i32
    return %c0_i32, %add3A_0 : i32, i32
  }
  func.func @transform_2(%arg0: i32) -> (i32, i32) {
    %c0_i32 = arith.constant 0 : i32
    %c0_i32_0 = arith.constant 0 : i32
    %c0_i32_1 = arith.constant 0 : i32
    return %c0_i32, %c0_i32_0 : i32, i32
  }
  func.func @transform_3(%arg0: i32) -> (i32, i32) {
    %c0_i32 = arith.constant 0 : i32
    %c0_i32_0 = arith.constant 0 : i32
    return %arg0, %c0_i32 : i32, i32
  }
}

</mosaic_0001>

<sc_bundles>
// kernel: kernel.4.cloned.1.call-start
scs
__scs_entry_jumppad:
0x0: {  	(pc) =	sbr.rel $0x88, $3  }
0x1: {  	(tag) =	ssettag $0x0;
	lr =	simm.s32 $0x1  }
0x2: {  	[smem:$0x3F9F] =	sst lr;
	_ =	strace $0xD0000000  }
0x3: {  	_ = 	snop  }
0x4: {  	_ = 	snop  }
0x5: {  	_ = 	snop  }
0x6: {  	_ = 	snop  }
0x7: {  	_ = 	snop  }
__scs_overlays_trampoline_lowered:
0x8: {  	[smem:$0x3FAE] =	sst s0  }
0x9: {  	[smem:$0x3FAF] =	sst s1  }
0xa: {  	[smem:$0x3FB0] =	sst s2  }
0xb: {  	[smem:$0x3FB1] =	sst s3  }
0xc: {  	[smem:$0x3FB2] =	sst s4  }
0xd: {  	[smem:$0x3FB3] =	sst s5  }
0xe: {  	[smem:$0x3FB4] =	sst s6  }
0xf: {  	[smem:$0x3FB5] =	sst s7  }
0x10: {  	[smem:$0x3FB6] =	sst s8  }
0x11: {  	[smem:$0x3FB7] =	sst s9;
	s0 =	simm.s32 @!p0 $0x0  }
0x12: {  	s1 =	sld [smem:$0x3F9D];
	s0 =	simm.s32 @p0 $0x1  }
0x13: {  	[smem:$0x3FB8] =	sst s0;
	s0 =	simm.s32 @!p1 $0x0  }
0x14: {  	s2 =	sld [smem:$0x3F9C];
	s0 =	simm.s32 @p1 $0x1  }
0x15: {  	[smem:$0x3FB9] =	sst s0;
	s0 =	simm.s32 @!p2 $0x0  }
0x16: {  	s3 =	sld [smem:$0x3FDB];
	s0 =	simm.s32 @p2 $0x1  }
0x17: {  	s4 =	simm.s32 $0x1BF5;
	[smem:$0x3FBB] =	sst s0  }
0x18: {  	s0 =	sld [smem:$0x3F9E];
	_ =	swait.ge [sflag:s4], $0x0  }
0x19: {  	s7 =	sld [smem:$0x3F9F]  }
0x1a: {  	s8 =	sadd.s32 $0xFFFFE003, lr  }
0x1b: {  	s9 =	sadd.s32 $0xFFFFFEF7, lr;
	s5 =	simm.s32 $0xFFFFFFFF;
	p2 =	slt.u32 s8, $0xFFFFF086  }
0x1c: {  	p1 =	slt.u32 s9, $0xF7A;
	s5 =	simm.s32 @!p2 $0x0  }
0x1d: {  	s5 =	simm.s32 @p1 $0x1;
	p0 =	seq.s32 s7, s2  }
0x1e: {  	s7 =	smul.u32 @!p0 $0xF7A, s2;
	p2 =	seq.s32 @!p0 s5, $0x0  }
0x1f: {  	s9 =	smul.u32 $0xF7A, s1;
	s8 =	simm.s32 @!p0 $0x1BF5;
	p2 =	por !p2, p0  }
0x20: {  	[sflag:s8] =	ssyncset.s32 @!p0 $0xFFFFF086;
	s6 =	sadd.s32 @!p0 s3, s7;
	s7 =	simm.s32 @!p0 $0x108  }
0x21: {  	s3 =	sadd.s32 s3, s9;
	s6 =	sadd.s32 @!p0 $0x88, s6;
	s7 =	simm.s32 @p2 $0x1082  }
0x22: {  	[simem:s7], [sflag:s8] =	dma.local @!p0 [hbm:s6], $0xF7A  }
0x23: {  	s9 =	sor.u32 $0xD0000000, s2;
	s6 =	simm.s32 $0x108;
	_ =	swait.ge @!p0 [sflag:s8], $0x0  }
0x24: {  	s3 =	sadd.s32 $0x88, s3;
	s6 =	simm.s32 @!p1 $0x1082;
	[sflag:s4] =	ssyncset.s32 $0xFFFFF086  }
0x25: {  	[simem:s6], [sflag:s4] =	dma.local [hbm:s3], $0xF7A  }
0x26: {  	[smem:$0x3F9F] =	sst s1;
	(tag) =	ssettag s2;
	_ =	strace s9  }
0x27: {  	s1 =	sld [smem:$0x3FAF]  }
0x28: {  	s2 =	sld [smem:$0x3FB0]  }
0x29: {  	s4 =	sld [smem:$0x3FB2]  }
0x2a: {  	p0 =	seq.s32 s5, $0x0;
	s5 =	sld [smem:$0x3FB3]  }
0x2b: {  	s6 =	sld [smem:$0x3FB4]  }
0x2c: {  	s7 =	sld [smem:$0x3FB5]  }
0x2d: {  	s3 =	simm.s32 $0x108;
	s8 =	sld [smem:$0x3FB6]  }
0x2e: {  	s3 =	simm.s32 @!p0 $0x1082;
	s9 =	sld [smem:$0x3FB7]  }
0x2f: {  	lr =	sadd.s32 s0, s3;
	s0 =	sld [smem:$0x3FAE]  }
0x30: {  	s3 =	sld [smem:$0x3FB1]  }
0x31: {  	[smem:$0x3FBA] =	sst s10  }
0x32: {  	s10 =	sld [smem:$0x3FB8];
	_ =	sdelay $0x3  }
0x33: {  	p0 =	seq.s32 s10, $0x1;
	s10 =	sld [smem:$0x3FBA];
	_ =	sdelay $0x3  }
0x34: {  	[smem:$0x3FBA] =	sst s10  }
0x35: {  	s10 =	sld [smem:$0x3FB9];
	_ =	sdelay $0x3  }
0x36: {  	p1 =	seq.s32 s10, $0x1;
	s10 =	sld [smem:$0x3FBA];
	_ =	sdelay $0x3  }
0x37: {  	[smem:$0x3FBA] =	sst s10  }
0x38: {  	s10 =	sld [smem:$0x3FBB]  }
0x39: {  	_ = 	snop;
	(pc) =	sbr.ind lr, $3  }
0x3a: {  	_ = 	snop  }
0x3b: {  	_ = 	snop  }
0x3c: {  	p2 =	seq.s32 s10, $0x1;
	s10 =	sld [smem:$0x3FBA]  }
0x3d: {  	_ =	shalt  }
0x3e: {  	_ =	shalt  }
0x3f: {  	_ =	shalt  }
0x40: {  	_ =	shalt  }
0x41: {  	_ =	shalt  }
0x42: {  	_ =	shalt  }
0x43: {  	_ =	shalt  }
0x44: {  	_ =	shalt  }
0x45: {  	_ =	shalt  }
0x46: {  	_ =	shalt  }
0x47: {  	_ =	shalt  }
0x48: {  	_ =	shalt  }
0x49: {  	_ =	shalt  }
0x4a: {  	_ =	shalt  }
0x4b: {  	_ =	shalt  }
0x4c: {  	_ =	shalt  }
0x4d: {  	_ =	shalt  }
0x4e: {  	_ =	shalt  }
0x4f: {  	_ =	shalt  }
0x50: {  	_ =	shalt  }
0x51: {  	_ =	shalt  }
0x52: {  	_ =	shalt  }
0x53: {  	_ =	shalt  }
0x54: {  	_ =	shalt  }
0x55: {  	_ =	shalt  }
0x56: {  	_ =	shalt  }
0x57: {  	_ =	shalt  }
0x58: {  	_ =	shalt  }
0x59: {  	_ =	shalt  }
0x5a: {  	_ =	shalt  }
0x5b: {  	_ =	shalt  }
0x5c: {  	_ =	shalt  }
0x5d: {  	_ =	shalt  }
0x5e: {  	_ =	shalt  }
0x5f: {  	_ =	shalt  }
0x60: {  	_ =	shalt  }
0x61: {  	_ =	shalt  }
0x62: {  	_ =	shalt  }
0x63: {  	_ =	shalt  }
0x64: {  	_ =	shalt  }
0x65: {  	_ =	shalt  }
0x66: {  	_ =	shalt  }
0x67: {  	_ =	shalt  }
0x68: {  	_ =	shalt  }
0x69: {  	_ =	shalt  }
0x6a: {  	_ =	shalt  }
0x6b: {  	_ =	shalt  }
0x6c: {  	_ =	shalt  }
0x6d: {  	_ =	shalt  }
0x6e: {  	_ =	shalt  }
0x6f: {  	_ =	shalt  }
0x70: {  	_ =	shalt  }
0x71: {  	_ =	shalt  }
0x72: {  	_ =	shalt  }
0x73: {  	_ =	shalt  }
0x74: {  	_ =	shalt  }
0x75: {  	_ =	shalt  }
0x76: {  	_ =	shalt  }
0x77: {  	_ =	shalt  }
0x78: {  	_ =	shalt  }
0x79: {  	_ =	shalt  }
0x7a: {  	_ =	shalt  }
0x7b: {  	_ =	shalt  }
0x7c: {  	_ =	shalt  }
0x7d: {  	_ =	shalt  }
0x7e: {  	_ =	shalt  }
0x7f: {  	_ =	shalt  }
0x80: {  	_ =	shalt  }
0x81: {  	_ =	shalt  }
0x82: {  	_ =	shalt  }
0x83: {  	_ =	shalt  }
0x84: {  	_ =	shalt  }
0x85: {  	_ =	shalt  }
0x86: {  	_ =	shalt  }
0x87: {  	_ =	shalt  }
.Lfunc_end0:
.L_simem_size_0:
called_computation.1_lowered:
.L_overlay_start_0:
0x88: {  	s2 =	sld [smem:$0x3FD9]  }
0x89: {  	s3 =	sld [smem:$0x3FFE];
	_ =	sdelay $0x1  }
0x8a: {  	s1 =	srdreg.scid  }
0x8b: {  	s0 =	sand.u32 $0x1, s1  }
0x8c: {  	s17 =	sshll.u32 s0, $0xA;
	s2 =	sadd.s32 s3, s2  }
0x8d: {  	s2 =	sadd.s32 s2, s17  }
0x8e: {  	[smem:$0x3FC6] =	sst s2  }
0x8f: {  	_ = 	snop  }
0x90: {  	s2 =	sld [smem:$0x3FD0];
	(tm) =	ssettm $0x1  }
0x91: {  	s18 =	sld [smem:$0x3FFB];
	_ =	sdelay $0x3  }
0x92: {  	_ =	strace s18  }
0x93: {  	s3 =	sld [smem:$0x3FFC];
	_ =	sdelay $0x3  }
0x94: {  	_ =	strace s3  }
0x95: {  	s3 =	sld [smem:$0x3FFD];
	_ =	sdelay $0x3  }
0x96: {  	_ =	strace s3  }
0x97: {  	_ =	strace $0x8FFFFFFF  }
0x98: {  	s19 =	sld [smem:$0x3FDB];
	_ =	sdelay $0x1  }
0x99: {  	s4 =	simm.s32 $_scs_section_size  }
0x9a: {  	s5 =	simm.s32 $_size__tile_overlayer_lowered;
	s6 =	simm.s32 $_tile_overlayer_lowered  }
0x9b: {  	s22 =	simm.s32 $0x1BFF;
	s21 =	sshll.u32 s6, $0x1;
	s3 =	sadd.s32 s4, s19  }
0x9c: {  	s7 =	simm.s32 $0x0;
	s20 =	sshll.u32 s5, $0x1;
	s5 =	sadd.s32 s21, s3  }
0x9d: {  	[timem:s7], [sflag:s22] =	dma.local [hbm:s5], s20  }
0x9e: {  	_ =	swait.ge [sflag:s22], s20  }
0x9f: {  	s4 =	ssub.s32 $0x0, s20;
	[sflag:s22] =	ssyncset.done $0x0  }
0xa0: {  	[sflag:s22] =	ssyncadd.s32 s4;
	_ =	sdelay $0x1  }
0xa1: {  	s23 =	simm.s32 $0x1B8B  }
0xa2: {  	_ =	swait.ge [sflag:s23], $0x1  }
0xa3: {  	[sflag:s23] =	ssyncset.done $0x0  }
0xa4: {  	s25 =	simm.s32 $0x1B8E;
	s24 =	sld [smem:$0x3FFE];
	[sflag:s23] =	ssyncadd.s32 $0xFFFFFFFF  }
0xa5: {  	s26 =	simm.s32 $execute0_lowered;
	[smem:$0x3FD2] =	sst s25  }
0xa6: {  	s5 =	sshll.u32 s26, $0x1;
	_ =	strace $0x80000046;
	[dreg:$0x1] =	wrdreg $0xFFFFFFFF  }
0xa7: {  	s28 =	simm.s32 $_size_execute0_lowered;
	s3 =	sadd.s32 s3, s5;
	[dreg:$0x0] =	wrdreg $0x0  }
0xa8: {  	s5 =	sshll.u32 s28, $0x1;
	[dreg:$0x2] =	wrdreg s3  }
0xa9: {  	[dreg:$0x3] =	wrdreg s5  }
0xaa: {  	[dreg:$0x4] =	wrdreg $0xC0  }
0xab: {  	_ =	task [dreg:s7], $0x5FFFF  }
0xac: {  	[dreg:$0x1] =	wrdreg $0xFFFFFFFF  }
0xad: {  	[dreg:$0x0] =	wrdreg $0x60  }
0xae: {  	[dreg:$0x2] =	wrdreg s2  }
0xaf: {  	[dreg:$0x3] =	wrdreg s24  }
0xb0: {  	[dreg:$0x4] =	wrdreg $0x9  }
0xb1: {  	_ =	task.clear_ibuf [dreg:s7], $0x5FFFF;
	_ =	strace $0x90000046  }
0xb2: {  	s29 =	simm.s32 $0x9;
	_ =	strace $0x80000048  }
0xb3: {  	_ =	swait.ge [sflag:s29], $0x1  }
0xb4: {  	[sflag:s29] =	ssyncadd.s32 $0xFFFFFFFF  }
0xb5: {  	_ =	strace $0x90000048  }
0xb6: {  	_ =	sfence  }
0xb7: {  	s30 =	sld [smem:$0x0];
	_ =	sdelay $0x2  }
0xb8: {  	s31 =	sshll.u32 s1, $0xD;
	s1 =	sshrl.u32 s1, $0x2  }
0xb9: {  	s3 =	sand.u32 $0x4000, s31;
	s1 =	sadd.s32 s1, s30  }
0xba: {  	s0 =	sor.u32 s3, s0;
	s1 =	sshll.u32 s1, $0x11  }
0xbb: {  	s0 =	sor.u32 s1, s0  }
0xbc: {  	s0 =	sadd.s32 $0x8F2B, s0  }
0xbd: {  	[sflag:s0] =	ssyncadd.remote.s32 $0x1  }
0xbe: {  	_ =	sfence.sel $0xFFFF  }
0xbf: {  	[dreg:$0x0] =	wrdreg $0xFFFFFFFF;
	(pc) =	sbr.abs _section_cstart, $3  }
0xc0: {  	[dreg:$0x1] =	wrdreg $0xFFFFFFFF  }
0xc1: {  	_ =	task.clear_ibuf [dreg:s7], $0x2FFFF;
	_ =	strace $0x9FFFFFFF  }
0xc2: {  	(tm) =	ssettm $0x7FFFFFFF  }
0xc3: {  	_ =	shalt  }
tec
execute0_lowered:
.L_overlay_start_1:
0x0: {  	(tag) =	ssettag $0x1  }
0x1: {  	s2 =	rddreg [dreg:$0x0]  }
0x2: {  	s5 =	rddreg [dreg:$0x1]  }
0x3: {  	s0 =	rddreg [dreg:$0x2]  }
0x4: {  	s3 =	simm.s32 $0x0;
	s1 =	stileid.u32;
	s4 =	srdreg.scid  }
0x5: {  	s11 =	simm.s32 $0x340;
	s12 =	simm.s32 $0xD0;
	s13 =	simm.s32 $0x2  }
0x6: {  	s14 =	simm.s32 $0x270;
	s15 =	simm.s32 $0x3540;
	s16 =	simm.s32 $0x3  }
0x7: {  	s17 =	simm.s32 $0x40;
	s18 =	simm.s32 $0x80;
	s19 =	simm.s32 $0x5  }
0x8: {  	s20 =	simm.s32 $0x4;
	s21 =	simm.s32 $0x6;
	s22 =	simm.s32 $0x0  }
0x9: {  	s6 =	sand.u32 $0x1, s4;
	s28 =	sshll.u32 s1, $0x1;
	s7 =	smul.u32 $0xC8000, s1  }
0xa: {  	s8 =	sor.u32 s6, s28;
	s9 =	ssub.s32 $0x2, s6;
	s6 =	smul.u32 $0x64000, s6  }
0xb: {  	[smem:$0x7FF] =	sst s3;
	s4 =	sadd.s32 $0x800, s5;
	s8 =	smul.u32 $0x6400, s8  }
0xc: {  	_ =	strace $0x80000047;
	s5 =	sadd.s32 s7, s5;
	s29 =	sshrl.u32 s9, $0x1  }
0xd: {  	s7 =	ssub.s32 s9, s29;
	s6 =	sadd.s32 s6, s5;
	s10 =	sor.u32 $0x190, s8  }
0xe: {  	s30 =	sshrl.u32 s8, $0x3;
	s8 =	sor.u32 $0x258, s8;
	[dreg:$0x3] =	wrdreg s10  }
0xf: {  	s9 =	simm.s32 $0xC8;
	s31 =	sadd.s32 $0x7A2800, s6;
	[dreg:$0x4] =	wrdreg s8  }
0x10: {  	s7 =	smax.u32 s7, $0x1;
	s5 =	sadd.s32 s2, s30;
	[dreg:$0x5] =	wrdreg s31  }
0x11: {  	v0 =	vimm.s32 $0x0;
	s8 =	simm.s32 $0x1;
	s10 =	simm.s32 $0x1A0;
	s6 =	sadd.s32 $0x19, s5  }
.LBB2_1:
0x12: {  	[tilespmem:s3], [sflag:$0x1] =	stream.linear.gather [hbm4b:s5+s3], $0xC8, $0x38;
	[tilespmem:$0x6740] =	vst v63  }
0x13: {  	_ =	swait.ge [sflag:s8], $0xC8  }
0x14: {  	[sflag:s8] =	ssyncset.done $0x0  }
0x15: {  	[sflag:s8] =	ssyncadd.s32 $0xFFFFFF38  }
0x16: {  	v1 =	vld [tilespmem:$0x0]  }
0x17: {  	v2 =	vld [tilespmem:$0x10]  }
0x18: {  	v3 =	vld [tilespmem:$0x20]  }
0x19: {  	v4 =	vld [tilespmem:$0x30]  }
0x1a: {  	v5 =	vld [tilespmem:$0x40]  }
0x1b: {  	v10 =	vld [tilespmem:$0x60]  }
0x1c: {  	v50 =	vld [tilespmem:$0x90]  }
0x1d: {  	v51 =	vld [tilespmem:$0xA0];
	vm0 =	vgt.s32 v1, $0x7A1FF;
	v1 =	vshll.u32 v1, $0x1;
	v7 =	vshll.u32 v2, $0x1  }
0x1e: {  	vm5 =	vgt.s32 v2, $0x7A1FF;
	vm1 =	vgt.s32 v3, $0x7A1FF;
	v3 =	vshll.u32 v3, $0x1  }
0x1f: {  	v2 =	vld [tilespmem:$0x50];
	v48 =	vshll.u32 v4, $0x1;
	vm6 =	vgt.s32 v4, $0x7A1FF;
	vm7 =	vgt.s32 v5, $0x7A1FF  }
0x20: {  	v4 =	vld [tilespmem:$0x80];
	v5 =	vshll.u32 v5, $0x1;
	v6 =	vsel vm0, $0xFFF0BC01, v0;
	v8 =	vsel vm5, $0xFFF0BC01, v0  }
0x21: {  	vm9 =	vgt.s32 v10, $0x7A1FF;
	v1 =	vadd.s32 v1, v6;
	v6 =	vadd.s32 v7, v8;
	v7 =	vld [tilespmem:$0x70]  }
0x22: {  	vm12 =	vgt.s32 v50, $0x7A1FF;
	vm13 =	vgt.s32 v51, $0x7A1FF;
	v9 =	vsel vm1, $0xFFF0BC01, v0  }
0x23: {  	v49 =	vsel vm6, $0xFFF0BC01, v0;
	v11 =	vsel vm7, $0xFFF0BC01, v0;
	v3 =	vadd.s32 v3, v9;
	[tilespmem:$0x1A0] =	vst v1  }
0x24: {  	v53 =	vld [tilespmem:$0xC0];
	v5 =	vadd.s32 v5, v11;
	v1 =	vadd.s32 v48, v49;
	[tilespmem:$0x1C0] =	vst v3;
	v3 =	vshll.u32 v10, $0x1  }
0x25: {  	[tilespmem:$0x1B0] =	vst v6;
	vm8 =	vgt.s32 v2, $0x7A1FF;
	v2 =	vshll.u32 v2, $0x1;
	vm11 =	vgt.s32 v4, $0x7A1FF  }
0x26: {  	[tilespmem:$0x1D0] =	vst v1;
	v6 =	vsel vm8, $0xFFF0BC01, v0;
	v1 =	vshll.u32 v7, $0x1;
	vm10 =	vgt.s32 v7, $0x7A1FF;
	v7 =	vld [tilespmem:$0xB0]  }
0x27: {  	[tilespmem:$0x1E0] =	vst v5;
	v4 =	vshll.u32 v4, $0x1;
	v2 =	vadd.s32 v2, v6;
	v6 =	vsel vm9, $0xFFF0BC01, v0  }
0x28: {  	v52 =	vsel vm11, $0xFFF0BC01, v0;
	v5 =	vsel vm10, $0xFFF0BC01, v0;
	[tilespmem:$0x1F0] =	vst v2;
	v2 =	vadd.s32 v3, v6  }
0x29: {  	vm15 =	vgt.s32 v53, $0x7A1FF;
	v3 =	vadd.s32 v4, v52;
	v1 =	vadd.s32 v1, v5;
	[tilespmem:$0x200] =	vst v2  }
0x2a: {  	v4 =	vshll.u32 v51, $0x1;
	v2 =	vshll.u32 v50, $0x1;
	[tilespmem:$0x210] =	vst v1;
	v1 =	vsel vm12, $0xFFF0BC01, v0  }
0x2b: {  	v5 =	vsel vm13, $0xFFF0BC01, v0;
	[tilespmem:$0x220] =	vst v3;
	v1 =	vadd.s32 v2, v1;
	vm14 =	vgt.s32 v7, $0x7A1FF  }
0x2c: {  	v2 =	vadd.s32 v4, v5;
	[tilespmem:$0x230] =	vst v1;
	v1 =	vshll.u32 v7, $0x1;
	v3 =	vsel vm14, $0xFFF0BC01, v0  }
0x2d: {  	[tilespmem:$0x240] =	vst v2;
	v2 =	vshll.u32 v53, $0x1;
	v1 =	vadd.s32 v1, v3;
	v3 =	vsel vm15, $0xFFF0BC01, v0  }
0x2e: {  	[tilespmem:$0x250] =	vst v1;
	v1 =	vadd.s32 v2, v3  }
0x2f: {  	[tilespmem:$0x260] =	vst v1  }
0x30: {  	[tilespmem:s11], [sflag:$0x3] =	stream.indirect.gather [hbm4b:s4+s9], $0x40, s10, s9, $0xb8;
	[tilespmem:$0x6740] =	vst v63  }
0x31: {  	_ = 	snop  }
0x32: {  	[tilespmem:s12], [sflag:$0x2] =	stream.linear.gather [hbm4b:s6+s3], $0xC8, $0x38;
	[tilespmem:$0x6740] =	vst v63  }
0x33: {  	_ =	swait.ge [sflag:s13], $0xC8  }
0x34: {  	[sflag:s13] =	ssyncset.done $0x0  }
0x35: {  	[sflag:s13] =	ssyncadd.s32 $0xFFFFFF38  }
0x36: {  	v1 =	vld [tilespmem:$0x190]  }
0x37: {  	v2 =	vld [tilespmem:$0x180]  }
0x38: {  	v3 =	vld [tilespmem:$0x160]  }
0x39: {  	v4 =	vld [tilespmem:$0x110]  }
0x3a: {  	v5 =	vld [tilespmem:$0x100]  }
0x3b: {  	v6 =	vld [tilespmem:$0xE0]  }
0x3c: {  	v7 =	vld [tilespmem:$0xD0];
	_ =	sdelay $0x1  }
0x3d: {  	v57 =	vld [tilespmem:$0x170];
	vm4 =	vgt.s32 v1, $0x7A1FF;
	v1 =	vshll.u32 v1, $0x1;
	v55 =	vshll.u32 v2, $0x1  }
0x3e: {  	v60 =	vld [tilespmem:$0x130];
	vm5 =	vgt.s32 v2, $0x7A1FF;
	vm6 =	vgt.s32 v4, $0x7A1FF;
	vm2 =	vgt.s32 v3, $0x7A1FF  }
0x3f: {  	v3 =	vshll.u32 v3, $0x1;
	v59 =	vshll.u32 v6, $0x1;
	vm7 =	vgt.s32 v6, $0x7A1FF  }
0x40: {  	v2 =	vld [tilespmem:$0x120];
	v12 =	vshll.u32 v7, $0x1;
	vm8 =	vgt.s32 v7, $0x7A1FF;
	v7 =	vshll.u32 v5, $0x1  }
0x41: {  	vm9 =	vgt.s32 v5, $0x7A1FF;
	v4 =	vshll.u32 v4, $0x1;
	v54 =	vsel vm4, $0xFFF0BC01, v0  }
0x42: {  	vm11 =	vgt.s32 v57, $0x7A1FF;
	v58 =	vsel vm2, $0xFFF0BC01, v0;
	v1 =	vadd.s32 v1, v54  }
0x43: {  	v6 =	vld [tilespmem:$0xF0];
	vm12 =	vgt.s32 v60, $0x7A1FF;
	v56 =	vsel vm5, $0xFFF0BC01, v0;
	v3 =	vadd.s32 v3, v58;
	[tilespmem:$0x330] =	vst v1  }
0x44: {  	v61 =	vsel vm8, $0xFFF0BC01, v0;
	v13 =	vsel vm9, $0xFFF0BC01, v0;
	v8 =	vadd.s32 v55, v56;
	[tilespmem:$0x300] =	vst v3;
	v3 =	vld [tilespmem:$0x150]  }
0x45: {  	v7 =	vadd.s32 v7, v13;
	v1 =	vsel vm7, $0xFFF0BC01, v0;
	[tilespmem:$0x320] =	vst v8;
	vm10 =	vgt.s32 v2, $0x7A1FF  }
0x46: {  	v5 =	vld [tilespmem:$0x140];
	[tilespmem:$0x2A0] =	vst v7;
	v1 =	vadd.s32 v59, v1;
	v2 =	vshll.u32 v2, $0x1;
	v62 =	vsel vm10, $0xFFF0BC01, v0  }
0x47: {  	v63 =	vsel vm12, $0xFFF0BC01, v0;
	v7 =	vsel vm6, $0xFFF0BC01, v0;
	[tilespmem:$0x280] =	vst v1;
	v2 =	vadd.s32 v2, v62  }
0x48: {  	v14 =	vshll.u32 v6, $0x1;
	vm13 =	vgt.s32 v6, $0x7A1FF;
	[tilespmem:$0x2C0] =	vst v2;
	v2 =	vadd.s32 v12, v61  }
0x49: {  	v6 =	vsel vm13, $0xFFF0BC01, v0;
	vm15 =	vgt.s32 v3, $0x7A1FF;
	[tilespmem:$0x270] =	vst v2;
	v2 =	vadd.s32 v4, v7  }
0x4a: {  	v1 =	vshll.u32 v3, $0x1;
	v3 =	vsel vm15, $0xFFF0BC01, v0;
	[tilespmem:$0x2B0] =	vst v2;
	v2 =	vadd.s32 v14, v6  }
0x4b: {  	vm14 =	vgt.s32 v5, $0x7A1FF;
	v4 =	vshll.u32 v60, $0x1;
	v1 =	vadd.s32 v1, v3;
	[tilespmem:$0x290] =	vst v2  }
0x4c: {  	v6 =	vshll.u32 v57, $0x1;
	v2 =	vadd.s32 v4, v63;
	v4 =	vsel vm11, $0xFFF0BC01, v0;
	[tilespmem:$0x2F0] =	vst v1  }
0x4d: {  	v3 =	vsel vm14, $0xFFF0BC01, v0;
	[tilespmem:$0x2D0] =	vst v2;
	v2 =	vshll.u32 v5, $0x1;
	v4 =	vadd.s32 v6, v4  }
0x4e: {  	p0 =	por $0x1, $0x1;
	v1 =	vadd.s32 v2, v3;
	[tilespmem:$0x310] =	vst v4  }
0x4f: {  	s23 =	simm.s32 @!p0 $0x6;
	[tilespmem:$0x2E0] =	vst v1  }
0x50: {  	_ =	swait.ge @!p0 [sflag:s23], $0x3200  }
0x51: {  	[sflag:s23] =	ssyncset.done @!p0 $0x0  }
0x52: {  	s30 =	smin.u32 s3, $0x7D;
	[sflag:s23] =	ssyncadd.s32 @!p0 $0xFFFFCE00  }
0x53: {  	[tilespmem:s15], [sflag:$0x4] =	stream.indirect.gather [hbm4b:s4+s9], $0x40, s14, s9, $0xb8;
	[tilespmem:$0x6740] =	vst v63  }
0x54: {  	s23 =	smul.u32 $0xC8, s30;
	_ =	swait.ge [sflag:s16], $0x3200  }
0x55: {  	s24 =	rddreg [dreg:$0x3]  }
0x56: {  	s23 =	sadd.s32 s23, s24  }
0x57: {  	[sflag:s16] =	ssyncset.done $0x0;
	s23 =	sshrl.u32 s23, $0x3  }
0x58: {  	s31 =	rddreg [dreg:$0x5];
	[sflag:s16] =	ssyncadd.s32 $0xFFFFCE00;
	s23 =	sadd.s32 s2, s23  }
0x59: {  	[tilespmem:s3], [sflag:$0x1] =	stream.linear.gather [hbm4b:s23+s3], $0xC8, $0x38;
	[tilespmem:$0x6740] =	vst v63  }
0x5a: {  	s28 =	sadd.s32 $0x0, s31  }
0x5b: {  	[hbm4b:s28+s17] =	stream.strided.scatter [tilespmem:s11], [sflag:$0x5], $0x3200, s18, s17, $0x38;
	[tilespmem:$0x6740] =	vst v63  }
0x5c: {  	_ =	swait.ge [sflag:s8], $0xC8  }
0x5d: {  	[sflag:s8] =	ssyncset.done $0x0  }
0x5e: {  	[sflag:s8] =	ssyncadd.s32 $0xFFFFFF38  }
0x5f: {  	v2 =	vld [tilespmem:$0x40]  }
0x60: {  	v4 =	vld [tilespmem:$0x10]  }
0x61: {  	p0 =	por $0x1, $0x1;
	s23 =	simm.s32 $0x0;
	v1 =	vld [tilespmem:$0x20]  }
0x62: {  	s25 =	simm.s32 $0x0;
	s24 =	simm.s32 $0x1900;
	s23 =	simm.s32 @!p0 $0x7C;
	v3 =	vld [tilespmem:$0x50]  }
.LBB2_2:
0x63: {  	v5 =	vld [tilespmem:$0x80]  }
0x64: {  	v6 =	vld [tilespmem:$0x90]  }
0x65: {  	v8 =	vld [tilespmem:$0x0]  }
0x66: {  	v11 =	vld [tilespmem:$0x30]  }
0x67: {  	v48 =	vld [tilespmem:$0x70];
	v7 =	vshll.u32 v4, $0x1;
	vm0 =	vgt.s32 v4, $0x7A1FF;
	vm6 =	vgt.s32 v1, $0x7A1FF  }
0x68: {  	v10 =	vshll.u32 v2, $0x1;
	vm7 =	vgt.s32 v2, $0x7A1FF;
	vm8 =	vgt.s32 v3, $0x7A1FF  }
0x69: {  	v1 =	vshll.u32 v1, $0x1;
	v9 =	vsel vm0, $0xFFF0BC01, v0;
	v47 =	vsel vm6, $0xFFF0BC01, v0  }
0x6a: {  	v2 =	vsel vm7, $0xFFF0BC01, v0;
	vm1 =	vgt.s32 v6, $0x7A1FF;
	vm10 =	vgt.s32 v8, $0x7A1FF  }
0x6b: {  	v4 =	vld [tilespmem:$0xA0];
	v6 =	vshll.u32 v6, $0x1;
	v16 =	vshll.u32 v11, $0x1;
	vm11 =	vgt.s32 v5, $0x7A1FF  }
0x6c: {  	v8 =	vshll.u32 v8, $0x1;
	vm12 =	vgt.s32 v48, $0x7A1FF;
	v7 =	vadd.s32 v7, v9  }
0x6d: {  	v2 =	vadd.s32 v10, v2;
	v12 =	vsel vm1, $0xFFF0BC01, v0;
	v1 =	vadd.s32 v1, v47;
	[tilespmem:$0x1B0] =	vst v7  }
0x6e: {  	v49 =	vsel vm11, $0xFFF0BC01, v0;
	v7 =	vshll.u32 v3, $0x1;
	v3 =	vld [tilespmem:$0x60];
	[tilespmem:$0x1E0] =	vst v2;
	v2 =	vsel vm8, $0xFFF0BC01, v0  }
0x6f: {  	v13 =	vld [tilespmem:$0xB0];
	v6 =	vadd.s32 v6, v12;
	[tilespmem:$0x1C0] =	vst v1;
	v1 =	vadd.s32 v7, v2;
	v2 =	vshll.u32 v5, $0x1  }
0x70: {  	v15 =	vld [tilespmem:$0xC0];
	v7 =	vshll.u32 v48, $0x1;
	[tilespmem:$0x230] =	vst v6;
	vm9 =	vgt.s32 v4, $0x7A1FF;
	v4 =	vshll.u32 v4, $0x1  }
0x71: {  	[tilespmem:$0x1F0] =	vst v1;
	v1 =	vsel vm12, $0xFFF0BC01, v0;
	v2 =	vadd.s32 v2, v49;
	v14 =	vsel vm9, $0xFFF0BC01, v0  }
0x72: {  	vm2 =	vgt.s32 v11, $0x7A1FF;
	v1 =	vadd.s32 v7, v1;
	[tilespmem:$0x220] =	vst v2;
	v4 =	vadd.s32 v4, v14  }
0x73: {  	[tilespmem:$0x210] =	vst v1;
	v5 =	vshll.u32 v3, $0x1;
	vm3 =	vgt.s32 v3, $0x7A1FF;
	v3 =	vsel vm10, $0xFFF0BC01, v0  }
0x74: {  	vm13 =	vgt.s32 v13, $0x7A1FF;
	v6 =	vsel vm2, $0xFFF0BC01, v0;
	[tilespmem:$0x240] =	vst v4;
	v1 =	vadd.s32 v8, v3  }
0x75: {  	vm14 =	vgt.s32 v15, $0x7A1FF;
	v3 =	vadd.s32 v16, v6;
	v6 =	vsel vm3, $0xFFF0BC01, v0;
	[tilespmem:$0x1A0] =	vst v1  }
0x76: {  	v2 =	vshll.u32 v13, $0x1;
	v1 =	vadd.s32 v5, v6;
	v5 =	vsel vm13, $0xFFF0BC01, v0;
	[tilespmem:$0x1D0] =	vst v3  }
0x77: {  	[tilespmem:$0x200] =	vst v1;
	v1 =	vadd.s32 v2, v5;
	v2 =	vshll.u32 v15, $0x1;
	v5 =	vsel vm14, $0xFFF0BC01, v0  }
0x78: {  	[tilespmem:$0x250] =	vst v1;
	v1 =	vadd.s32 v2, v5  }
0x79: {  	[tilespmem:$0x260] =	vst v1  }
0x7a: {  	_ =	swait.ge [sflag:s19], $0x3200  }
0x7b: {  	[sflag:s19] =	ssyncset.done $0x0  }
0x7c: {  	[sflag:s19] =	ssyncadd.s32 $0xFFFFCE00  }
0x7d: {  	[tilespmem:s11], [sflag:$0x3] =	stream.indirect.gather [hbm4b:s4+s9], $0x40, s10, s9, $0xb8;
	[tilespmem:$0x6740] =	vst v63  }
0x7e: {  	s25 =	sadd.s32 $0x2, s25;
	s30 =	smul.u32 $0xC8, s23;
	_ =	swait.ge [sflag:s20], $0x3200  }
0x7f: {  	p1 =	slt.s32 s25, $0x7C;
	s29 =	smov.u32 s25;
	s31 =	rddreg [dreg:$0x4]  }
0x80: {  	s29 =	simm.s32 @!p1 $0x7C;
	s31 =	sadd.s32 s30, s31  }
0x81: {  	s23 =	smov.u32 s29;
	[sflag:s20] =	ssyncset.done $0x0;
	s29 =	sshrl.u32 s31, $0x3  }
0x82: {  	[sflag:s20] =	ssyncadd.s32 $0xFFFFCE00;
	s29 =	sadd.s32 s2, s29  }
0x83: {  	[tilespmem:s12], [sflag:$0x2] =	stream.linear.gather [hbm4b:s29+s3], $0xC8, $0x38;
	[tilespmem:$0x6740] =	vst v63  }
0x84: {  	s28 =	sadd.s32 $0xC80, s28  }
0x85: {  	[hbm4b:s28+s17] =	stream.strided.scatter [tilespmem:s15], [sflag:$0x6], $0x3200, s18, s17, $0x38;
	[tilespmem:$0x6740] =	vst v63  }
0x86: {  	_ =	swait.ge [sflag:s13], $0xC8  }
0x87: {  	[sflag:s13] =	ssyncset.done $0x0  }
0x88: {  	[sflag:s13] =	ssyncadd.s32 $0xFFFFFF38  }
0x89: {  	v1 =	vld [tilespmem:$0x190]  }
0x8a: {  	v2 =	vld [tilespmem:$0x180]  }
0x8b: {  	v3 =	vld [tilespmem:$0x160]  }
0x8c: {  	v4 =	vld [tilespmem:$0x110]  }
0x8d: {  	v5 =	vld [tilespmem:$0x100]  }
0x8e: {  	v6 =	vld [tilespmem:$0xE0]  }
0x8f: {  	v7 =	vld [tilespmem:$0xD0];
	_ =	sdelay $0x1  }
0x90: {  	v52 =	vld [tilespmem:$0x170];
	vm15 =	vgt.s32 v1, $0x7A1FF;
	v50 =	vshll.u32 v2, $0x1;
	v1 =	vshll.u32 v1, $0x1  }
0x91: {  	vm4 =	vgt.s32 v2, $0x7A1FF;
	vm5 =	vgt.s32 v4, $0x7A1FF;
	vm6 =	vgt.s32 v3, $0x7A1FF  }
0x92: {  	v3 =	vshll.u32 v3, $0x1;
	v55 =	vshll.u32 v6, $0x1;
	vm7 =	vgt.s32 v6, $0x7A1FF  }
0x93: {  	v2 =	vld [tilespmem:$0x120];
	v56 =	vshll.u32 v7, $0x1;
	vm8 =	vgt.s32 v7, $0x7A1FF;
	v7 =	vshll.u32 v5, $0x1  }
0x94: {  	v6 =	vld [tilespmem:$0xF0];
	vm9 =	vgt.s32 v5, $0x7A1FF;
	v4 =	vshll.u32 v4, $0x1;
	v51 =	vsel vm15, $0xFFF0BC01, v0  }
0x95: {  	v57 =	vld [tilespmem:$0x140];
	vm11 =	vgt.s32 v52, $0x7A1FF;
	v54 =	vsel vm6, $0xFFF0BC01, v0;
	v1 =	vadd.s32 v1, v51  }
0x96: {  	v53 =	vsel vm4, $0xFFF0BC01, v0;
	v59 =	vsel vm9, $0xFFF0BC01, v0;
	v3 =	vadd.s32 v3, v54;
	[tilespmem:$0x330] =	vst v1  }
0x97: {  	v5 =	vld [tilespmem:$0x150];
	v8 =	vadd.s32 v50, v53;
	v7 =	vadd.s32 v7, v59;
	[tilespmem:$0x300] =	vst v3;
	v3 =	vsel vm7, $0xFFF0BC01, v0  }
0x98: {  	[tilespmem:$0x320] =	vst v8;
	v3 =	vadd.s32 v55, v3;
	v60 =	vshll.u32 v2, $0x1;
	vm10 =	vgt.s32 v2, $0x7A1FF  }
0x99: {  	v1 =	vld [tilespmem:$0x130];
	[tilespmem:$0x2A0] =	vst v7;
	v2 =	vshll.u32 v6, $0x1;
	vm13 =	vgt.s32 v6, $0x7A1FF;
	v6 =	vsel vm5, $0xFFF0BC01, v0  }
0x9a: {  	v62 =	vshll.u32 v57, $0x1;
	[tilespmem:$0x280] =	vst v3;
	v7 =	vsel vm10, $0xFFF0BC01, v0;
	v4 =	vadd.s32 v4, v6  }
0x9b: {  	vm14 =	vgt.s32 v57, $0x7A1FF;
	v63 =	vsel vm13, $0xFFF0BC01, v0;
	v7 =	vadd.s32 v60, v7;
	[tilespmem:$0x2B0] =	vst v4  }
0x9c: {  	v58 =	vsel vm8, $0xFFF0BC01, v0;
	vm15 =	vgt.s32 v5, $0x7A1FF;
	v2 =	vadd.s32 v2, v63;
	[tilespmem:$0x2C0] =	vst v7  }
0x9d: {  	v6 =	vsel vm11, $0xFFF0BC01, v0;
	v4 =	vsel vm14, $0xFFF0BC01, v0;
	v7 =	vadd.s32 v56, v58;
	[tilespmem:$0x290] =	vst v2  }
0x9e: {  	vm12 =	vgt.s32 v1, $0x7A1FF;
	v3 =	vadd.s32 v62, v4;
	v4 =	vshll.u32 v52, $0x1;
	[tilespmem:$0x270] =	vst v7  }
0x9f: {  	v1 =	vshll.u32 v1, $0x1;
	v61 =	vsel vm12, $0xFFF0BC01, v0;
	v4 =	vadd.s32 v4, v6;
	[tilespmem:$0x2E0] =	vst v3  }
0xa0: {  	s26 =	smov.u32 s24;
	v2 =	vsel vm15, $0xFFF0BC01, v0;
	v7 =	vshll.u32 v5, $0x1;
	v1 =	vadd.s32 v1, v61;
	[tilespmem:$0x310] =	vst v4  }
0xa1: {  	p1 =	seq.s32 s26, $0x0;
	[tilespmem:$0x2D0] =	vst v1;
	v1 =	vadd.s32 v7, v2  }
0xa2: {  	s28 =	simm.s32 @!p1 $0x6;
	[tilespmem:$0x2F0] =	vst v1  }
0xa3: {  	_ =	swait.ge @!p1 [sflag:s28], $0x3200  }
0xa4: {  	[sflag:s28] =	ssyncset.done @!p1 $0x0  }
0xa5: {  	[sflag:s28] =	ssyncadd.s32 @!p1 $0xFFFFCE00;
	s28 =	smin.u32 s25, $0x7D  }
0xa6: {  	[tilespmem:s15], [sflag:$0x4] =	stream.indirect.gather [hbm4b:s4+s9], $0x40, s14, s9, $0xb8;
	[tilespmem:$0x6740] =	vst v63  }
0xa7: {  	s28 =	smul.u32 $0xC8, s28;
	_ =	swait.ge [sflag:s16], $0x3200  }
0xa8: {  	s30 =	rddreg [dreg:$0x3]  }
0xa9: {  	s28 =	sadd.s32 s28, s30  }
0xaa: {  	[sflag:s16] =	ssyncset.done $0x0;
	s28 =	sshrl.u32 s28, $0x3  }
0xab: {  	s31 =	rddreg [dreg:$0x5];
	[sflag:s16] =	ssyncadd.s32 $0xFFFFCE00;
	s28 =	sadd.s32 s2, s28  }
0xac: {  	[tilespmem:s3], [sflag:$0x1] =	stream.linear.gather [hbm4b:s28+s3], $0xC8, $0x38;
	[tilespmem:$0x6740] =	vst v63  }
0xad: {  	s28 =	sadd.s32 s26, s31  }
0xae: {  	[hbm4b:s28+s17] =	stream.strided.scatter [tilespmem:s11], [sflag:$0x5], $0x3200, s18, s17, $0x38;
	[tilespmem:$0x6740] =	vst v63  }
0xaf: {  	s24 =	sadd.s32 $0x1900, s24;
	_ =	swait.ge [sflag:s8], $0xC8  }
0xb0: {  	p0 =	sne.s32 s24, $0x64000;
	[sflag:s8] =	ssyncset.done $0x0  }
.Ltmp0:
0xb1: {  	[sflag:s8] =	ssyncadd.s32 $0xFFFFFF38;
	(pc) =	sbr.rel @p0 .LBB2_2-.Ltmp0, $4  }
0xb2: {  	v2 =	vld [tilespmem:$0x40]  }
0xb3: {  	v4 =	vld [tilespmem:$0x10]  }
0xb4: {  	v1 =	vld [tilespmem:$0x20]  }
0xb5: {  	v3 =	vld [tilespmem:$0x50]  }
0xb6: {  	v5 =	vld [tilespmem:$0x90]  }
0xb7: {  	v6 =	vld [tilespmem:$0xA0]  }
0xb8: {  	v7 =	vld [tilespmem:$0x0];
	v10 =	vshll.u32 v2, $0x1;
	vm1 =	vgt.s32 v2, $0x7A1FF;
	vm0 =	vgt.s32 v4, $0x7A1FF  }
0xb9: {  	v9 =	vld [tilespmem:$0x80];
	v51 =	vshll.u32 v4, $0x1;
	v53 =	vsel vm1, $0xFFF0BC01, v0;
	v8 =	vsel vm0, $0xFFF0BC01, v0  }
0xba: {  	v12 =	vld [tilespmem:$0x60];
	vm5 =	vgt.s32 v1, $0x7A1FF;
	v1 =	vshll.u32 v1, $0x1;
	v2 =	vadd.s32 v51, v8  }
0xbb: {  	v52 =	vsel vm5, $0xFFF0BC01, v0;
	v11 =	vshll.u32 v3, $0x1;
	vm6 =	vgt.s32 v3, $0x7A1FF  }
0xbc: {  	v3 =	vld [tilespmem:$0x70];
	v8 =	vadd.s32 v10, v53;
	vm7 =	vgt.s32 v5, $0x7A1FF;
	v54 =	vsel vm6, $0xFFF0BC01, v0  }
0xbd: {  	vm8 =	vgt.s32 v6, $0x7A1FF;
	vm9 =	vgt.s32 v7, $0x7A1FF;
	[tilespmem:$0x1B0] =	vst v2;
	v2 =	vshll.u32 v5, $0x1  }
0xbe: {  	v56 =	vld [tilespmem:$0xB0];
	vm10 =	vgt.s32 v9, $0x7A1FF;
	v6 =	vshll.u32 v6, $0x1;
	v1 =	vadd.s32 v1, v52  }
0xbf: {  	v14 =	vld [tilespmem:$0x30];
	[tilespmem:$0x1E0] =	vst v8;
	v7 =	vshll.u32 v7, $0x1;
	v9 =	vshll.u32 v9, $0x1;
	v58 =	vshll.u32 v12, $0x1  }
0xc0: {  	vm12 =	vgt.s32 v12, $0x7A1FF;
	v13 =	vsel vm7, $0xFFF0BC01, v0;
	[tilespmem:$0x1C0] =	vst v1;
	v10 =	vadd.s32 v11, v54  }
0xc1: {  	v55 =	vsel vm8, $0xFFF0BC01, v0;
	v1 =	vld [tilespmem:$0xC0];
	v2 =	vadd.s32 v2, v13;
	[tilespmem:$0x1F0] =	vst v10;
	vm11 =	vgt.s32 v3, $0x7A1FF  }
0xc2: {  	v62 =	vadd.s32 v6, v55;
	[tilespmem:$0x230] =	vst v2;
	v3 =	vshll.u32 v3, $0x1;
	v2 =	vsel vm11, $0xFFF0BC01, v0  }
0xc3: {  	vm13 =	vgt.s32 v56, $0x7A1FF;
	v57 =	vsel vm10, $0xFFF0BC01, v0;
	[tilespmem:$0x240] =	vst v62;
	v2 =	vadd.s32 v3, v2  }
0xc4: {  	vm14 =	vgt.s32 v14, $0x7A1FF;
	v59 =	vsel vm9, $0xFFF0BC01, v0;
	v3 =	vadd.s32 v9, v57;
	[tilespmem:$0x210] =	vst v2  }
0xc5: {  	v60 =	vsel vm12, $0xFFF0BC01, v0;
	v61 =	vsel vm13, $0xFFF0BC01, v0;
	v2 =	vadd.s32 v7, v59;
	[tilespmem:$0x220] =	vst v3  }
0xc6: {  	vm15 =	vgt.s32 v1, $0x7A1FF;
	v3 =	vshll.u32 v56, $0x1;
	[tilespmem:$0x1A0] =	vst v2;
	v2 =	vadd.s32 v58, v60  }
0xc7: {  	v1 =	vshll.u32 v1, $0x1;
	[tilespmem:$0x200] =	vst v2;
	v2 =	vadd.s32 v3, v61;
	v3 =	vsel vm15, $0xFFF0BC01, v0  }
0xc8: {  	v63 =	vsel vm14, $0xFFF0BC01, v0;
	[tilespmem:$0x250] =	vst v2;
	v2 =	vshll.u32 v14, $0x1;
	v1 =	vadd.s32 v1, v3  }
0xc9: {  	v2 =	vadd.s32 v2, v63;
	[tilespmem:$0x260] =	vst v1  }
0xca: {  	[tilespmem:$0x1D0] =	vst v2  }
0xcb: {  	_ =	swait.ge [sflag:s19], $0x3200  }
0xcc: {  	[sflag:s19] =	ssyncset.done $0x0  }
0xcd: {  	[sflag:s19] =	ssyncadd.s32 $0xFFFFCE00  }
0xce: {  	[tilespmem:s11], [sflag:$0x3] =	stream.indirect.gather [hbm4b:s4+s9], $0x40, s10, s9, $0xb8;
	[tilespmem:$0x6740] =	vst v63  }
0xcf: {  	s23 =	smul.u32 $0xC8, s23;
	_ =	swait.ge [sflag:s20], $0x3200  }
0xd0: {  	s24 =	rddreg [dreg:$0x4]  }
0xd1: {  	s23 =	sadd.s32 s23, s24  }
0xd2: {  	[sflag:s20] =	ssyncset.done $0x0;
	s23 =	sshrl.u32 s23, $0x3  }
0xd3: {  	[sflag:s20] =	ssyncadd.s32 $0xFFFFCE00;
	s23 =	sadd.s32 s2, s23  }
0xd4: {  	[tilespmem:s12], [sflag:$0x2] =	stream.linear.gather [hbm4b:s23+s3], $0xC8, $0x38;
	[tilespmem:$0x6740] =	vst v63  }
0xd5: {  	s31 =	sadd.s32 $0xC80, s28  }
0xd6: {  	[hbm4b:s31+s17] =	stream.strided.scatter [tilespmem:s15], [sflag:$0x6], $0x3200, s18, s17, $0x38;
	[tilespmem:$0x6740] =	vst v63  }
0xd7: {  	_ =	swait.ge [sflag:s21], $0x3200  }
0xd8: {  	[sflag:s21] =	ssyncset.done $0x0  }
0xd9: {  	s22 =	sadd.s32 $0x1, s22;
	[sflag:s21] =	ssyncadd.s32 $0xFFFFCE00  }
0xda: {  	p0 =	sne.s32 s22, s7;
	_ =	swait.ge [sflag:s16], $0x3200  }
.Ltmp1:
0xdb: {  	[sflag:s16] =	ssyncset.done $0x0;
	(pc) =	sbr.rel @p0 .LBB2_1-.Ltmp1, $4  }
0xdc: {  	[sflag:s16] =	ssyncadd.s32 $0xFFFFCE00  }
0xdd: {  	_ =	swait.ge [sflag:s13], $0xC8  }
0xde: {  	[sflag:s13] =	ssyncset.done $0x0  }
0xdf: {  	[sflag:s13] =	ssyncadd.s32 $0xFFFFFF38  }
0xe0: {  	_ =	sfence.sel $0x180000  }
0xe1: {  	[bflag:$0x0] =	sbarrier.arrive $0xFFFF  }
0xe2: {  	p0 =	sne.s32 s1, $0x0;
	_ =	strace $0x90000047  }
0xe3: {  	s0 =	sadd.s32 @!p0 $0x100000, s0;
	[bflag:$0x2] =	sbarrier.arrive $0xFFFF  }
0xe4: {  	[sflag:s0] =	ssyncadd.tile.s32 @!p0 $0x1;
	_ =	shalt  }
.Lfunc_end2:
_tile_overlayer_lowered:
.L_overlay_start_2:
0xe5: {  	(tag) =	ssettag $0x2  }
0xe6: {  	s0 =	rddreg [dreg:$0x0];
	s2 =	stileid.u32  }
0xe7: {  	s1 =	rddreg [dreg:$0x1];
	p0 =	sne.s32 s2, $0x0  }
0xe8: {  	s3 =	rddreg [dreg:$0x2];
	[bflag:$0x3] =	sbarrier.arrive $0xFFFF;
	s2 =	simm.s32 @!p0 $0x1C07  }
0xe9: {  	[timem:s3], [sflag:s2] =	dma.local @!p0 [hbm:s0], s1  }
0xea: {  	s0 =	simm.s32 @!p0 $0x7  }
0xeb: {  	_ =	swait.ge @!p0 [sflag:s0], s1  }
0xec: {  	s1 =	ssub.s32 @!p0 $0x0, s1;
	[sflag:s0] =	ssyncset.done @!p0 $0x0  }
0xed: {  	[sflag:s0] =	ssyncadd.s32 @!p0 s1  }
0xee: {  	[bflag:$0x3] =	sbarrier.arrive $0xFFFF  }
0xef: {  	_ =	shalt  }

// kernel: sparse-core-data-format-call.cloned.1.call-start
scs
called_computation_lowered:
.L_overlay_start_0:
0x0: {  	s2 =	sld [smem:$0x3FD9]  }
0x1: {  	s3 =	sld [smem:$0x3FFE];
	_ =	sdelay $0x1  }
0x2: {  	s1 =	srdreg.scid  }
0x3: {  	s0 =	sand.u32 $0x1, s1  }
0x4: {  	s18 =	sshll.u32 s0, $0xA;
	s2 =	sadd.s32 s3, s2  }
0x5: {  	s2 =	sadd.s32 s2, s18  }
0x6: {  	[smem:$0x3FC6] =	sst s2  }
0x7: {  	_ = 	snop  }
0x8: {  	s2 =	sld [smem:$0x3FD0];
	(tm) =	ssettm $0x1  }
0x9: {  	s19 =	sld [smem:$0x3FFB];
	_ =	sdelay $0x3  }
0xa: {  	_ =	strace s19  }
0xb: {  	s3 =	sld [smem:$0x3FFC];
	_ =	sdelay $0x3  }
0xc: {  	_ =	strace s3  }
0xd: {  	s3 =	sld [smem:$0x3FFD];
	_ =	sdelay $0x3  }
0xe: {  	_ =	strace s3  }
0xf: {  	_ =	strace $0x8FFFFFFF  }
0x10: {  	s20 =	sld [smem:$0x3FDB];
	_ =	sdelay $0x1  }
0x11: {  	s4 =	simm.s32 $_scs_section_size  }
0x12: {  	s5 =	simm.s32 $_size__tile_overlayer_lowered;
	s6 =	simm.s32 $_tile_overlayer_lowered  }
0x13: {  	s23 =	simm.s32 $0x1BFF;
	s22 =	sshll.u32 s6, $0x1;
	s3 =	sadd.s32 s4, s20  }
0x14: {  	s7 =	simm.s32 $0x0;
	s21 =	sshll.u32 s5, $0x1;
	s5 =	sadd.s32 s22, s3  }
0x15: {  	[timem:s7], [sflag:s23] =	dma.local [hbm:s5], s21  }
0x16: {  	_ =	swait.ge [sflag:s23], s21  }
0x17: {  	s4 =	ssub.s32 $0x0, s21;
	[sflag:s23] =	ssyncset.done $0x0  }
0x18: {  	[sflag:s23] =	ssyncadd.s32 s4;
	_ =	sdelay $0x1  }
0x19: {  	s24 =	simm.s32 $0x1B8B  }
0x1a: {  	_ =	swait.ge [sflag:s24], $0x1  }
0x1b: {  	[sflag:s24] =	ssyncset.done $0x0  }
0x1c: {  	s26 =	simm.s32 $0x1B8E;
	s25 =	sld [smem:$0x3FFE];
	[sflag:s24] =	ssyncadd.s32 $0xFFFFFFFF  }
0x1d: {  	s27 =	simm.s32 $execute0_lowered;
	[smem:$0x3FD2] =	sst s26  }
0x1e: {  	s5 =	sshll.u32 s27, $0x1;
	_ =	strace $0x80000049;
	[dreg:$0x1] =	wrdreg $0xFFFFFFFF  }
0x1f: {  	s28 =	simm.s32 $_size_execute0_lowered;
	s3 =	sadd.s32 s3, s5;
	[dreg:$0x0] =	wrdreg $0x0  }
0x20: {  	s5 =	sshll.u32 s28, $0x1;
	[dreg:$0x2] =	wrdreg s3  }
0x21: {  	[dreg:$0x3] =	wrdreg s5  }
0x22: {  	[dreg:$0x4] =	wrdreg $0xC0  }
0x23: {  	_ =	task [dreg:s7], $0x5FFFF  }
0x24: {  	[dreg:$0x1] =	wrdreg $0xFFFFFFFF  }
0x25: {  	[dreg:$0x0] =	wrdreg $0x60  }
0x26: {  	[dreg:$0x2] =	wrdreg s25  }
0x27: {  	[dreg:$0x3] =	wrdreg s2  }
0x28: {  	[dreg:$0x4] =	wrdreg $0x9  }
0x29: {  	_ =	task.clear_ibuf [dreg:s7], $0x5FFFF;
	_ =	strace $0x90000049  }
0x2a: {  	s29 =	simm.s32 $0x9;
	_ =	strace $0x8000004B  }
0x2b: {  	_ =	swait.ge [sflag:s29], $0x1  }
0x2c: {  	[sflag:s29] =	ssyncadd.s32 $0xFFFFFFFF  }
0x2d: {  	_ =	strace $0x9000004B  }
0x2e: {  	_ =	sfence  }
0x2f: {  	s30 =	sld [smem:$0x0];
	_ =	sdelay $0x2  }
0x30: {  	s31 =	sshll.u32 s1, $0xD;
	s1 =	sshrl.u32 s1, $0x2  }
0x31: {  	s3 =	sand.u32 $0x4000, s31;
	s1 =	sadd.s32 s1, s30  }
0x32: {  	s0 =	sor.u32 s3, s0;
	s1 =	sshll.u32 s1, $0x11  }
0x33: {  	s0 =	sor.u32 s1, s0  }
0x34: {  	s0 =	sadd.s32 $0x8F2B, s0  }
0x35: {  	[sflag:s0] =	ssyncadd.remote.s32 $0x1  }
0x36: {  	_ =	sfence.sel $0xFFFF  }
0x37: {  	[dreg:$0x0] =	wrdreg $0xFFFFFFFF;
	(pc) =	sbr.abs _section_cstart, $3  }
0x38: {  	[dreg:$0x1] =	wrdreg $0xFFFFFFFF  }
0x39: {  	_ =	task.clear_ibuf [dreg:s7], $0x2FFFF;
	_ =	strace $0x9FFFFFFF  }
0x3a: {  	(tm) =	ssettm $0x7FFFFFFF  }
0x3b: {  	_ =	shalt  }
tec
execute0_lowered:
.L_overlay_start_1:
0x0: {  	(tag) =	ssettag $0x1  }
0x1: {  	s0 =	srdreg.scid  }
0x2: {  	s1 =	sshll.u32 s0, $0x4  }
0x3: {  	s0 =	stileid.u32;
	s1 =	sand.u32 $0x10, s1  }
0x4: {  	s1 =	sor.u32 s0, s1  }
0x5: {  	s6 =	rddreg [dreg:$0x0];
	s4 =	simm.s32 $0x1;
	s2 =	sshll.u32 s1, $0x7  }
0x6: {  	s7 =	simm.s32 $0x2;
	s12 =	simm.s32 $0x0;
	s1 =	ssub.s32 $0x1000, s2  }
0x7: {  	s8 =	simm.s32 $0x8000;
	s13 =	simm.s32 $0x0;
	s3 =	sand.u32 $0xF80, s1  }
0x8: {  	s9 =	simm.s32 $0x0;
	s5 =	sshrl.u32 s1, $0xC;
	p0 =	sne.s32 s3, $0x0  }
.Ltmp0:
0x9: {  	s1 =	rddreg [dreg:$0x2];
	s4 =	simm.s32 @!p0 $0x0;
	(pc) =	sbr.rel .LBB1_1-.Ltmp0, $4  }
0xa: {  	s11 =	simm.s32 $0x0;
	s3 =	rddreg [dreg:$0x1];
	s5 =	sadd.s32 s4, s5  }
0xb: {  	_ =	strace $0x8000004A;
	s4 =	simm.s32 $0x1;
	s5 =	smul.u32 $0xC8, s5  }
0xc: {  	s6 =	sadd.s32 $0x7A2800, s6;
	s10 =	smov.u32 s2;
	[sflag:s4] =	ssyncpa.u1 $0x0  }
0xd: {  	p0 =	por $0x0, $0x0;
	[sflag:s7] =	ssyncpa.u1 $0x0;
	s7 =	sor.u32 $0x1, s5  }
.LBB1_4:
0xe: {  	s16 =	sshll.u32 s13, $0x3;
	s17 =	sand.u32 $0x78, s13  }
0xf: {  	s30 =	sand.u32 $0x7E00, s13;
	s12 =	sshll.u32 s12, $0xF;
	s16 =	sand.u32 $0xC00, s16  }
0x10: {  	[tilespmem:s15+$0x810 ss:$0x81] =	vst.msk $0xffff, v2;
	s31 =	sand.u32 $0x7, s13;
	s16 =	sor.u32 s17, s16;
	s17 =	sadd.s32 s3, s30  }
0x11: {  	[tilespmem:s15+$0x1020 ss:$0x81] =	vst.msk $0xffff, v0;
	s13 =	sshll.u32 s31, $0x12;
	s12 =	sadd.s32 s12, s17;
	s16 =	sshrl.u32 s16, $0x3  }
0x12: {  	[tilespmem:s15+$0x0 ss:$0x81] =	vst.msk $0xffff, v1;
	s13 =	sor.u32 $0x400, s13;
	s12 =	sadd.s32 s16, s12  }
0x13: {  	[hbm4b:s12+s13] =	stream.strided.scatter [tilespmem:s14], [sflag:$0x2], $0x2000, s8, s13, $0x20;
	[tilespmem:$0x8080] =	vst v63  }
.LBB1_5:
0x14: {  	s14 =	sadd.s32 $0x1, s9  }
0x15: {  	s12 =	sadd.s32 $0x1000, s10;
	s16 =	smov.u32 s10;
	p2 =	sgt.s32 s14, $0xC7  }
0x16: {  	s16 =	smov.u32 @p2 s12  }
0x17: {  	s14 =	simm.s32 @p2 $0x0;
	p2 =	sgt.s32 s16, $0xFFF  }
0x18: {  	s16 =	smov.u32 @p2 s2;
	p2 =	sne.s32 s11, s7  }
.Ltmp1:
0x19: {  	p1 =	slt.u32 s11, $0x2;
	(pc) =	sbr.rel @!p2 .LBB1_6-.Ltmp1, $4  }
0x1a: {  	s15 =	simm.s32 @!p1 $0x2  }
0x1b: {  	s13 =	smov.u32 s10;
	p0 =	por !p0, !p0;
	_ =	swait.ge @!p1 [sflag:s15], $0x2000  }
0x1c: {  	s12 =	smov.u32 s9;
	[sflag:s15] =	ssyncset.done @!p1 $0x0;
	s9 =	smov.u32 s14  }
0x1d: {  	s11 =	sadd.s32 $0x1, s11;
	[sflag:s15] =	ssyncadd.s32 @!p1 $0xFFFFE000;
	s10 =	smov.u32 s16  }
.LBB1_1:
0x1e: {  	p1 =	sge.u32 s11, s5  }
0x1f: {  	s14 =	sand.u32 @!p1 $0x1FFFFFF, s9  }
0x20: {  	s15 =	smulhi.u32 @!p1 $0x147AE15, s14;
	_ =	sdelay $0x1  }
0x21: {  	s15 =	smul.u32 @!p1 $0xC8, s15  }
0x22: {  	s16 =	sxor.u32 @!p1 $0xFFFFFFFF, s11;
	s17 =	smul.u32 @!p1 $0xC80, s10  }
0x23: {  	s31 =	sadd.s32 $0xFFFFFFFF, s11;
	s16 =	sshll.u32 @!p1 s16, $0xD;
	s14 =	ssub.s32 @!p1 s14, s15  }
0x24: {  	s15 =	sand.u32 @!p1 $0x2000, s16;
	s16 =	sadd.s32 @!p1 s6, s17;
	s14 =	sshll.u32 @!p1 s14, $0x4  }
0x25: {  	s17 =	simm.s32 @!p1 $0x6400;
	s14 =	sadd.s32 @!p1 s14, s16;
	s16 =	simm.s32 @!p1 $0x40  }
0x26: {  	[tilespmem:s15], [sflag:$0x1] =	stream.strided.gather @!p1 [hbm4b:s14+s16], $0x2000, s17, s16, $0x38;
	[tilespmem:$0x8080] =	vst v63  }
0x27: {  	p1 =	sge.u32 s31, s5  }
.Ltmp2:
0x28: {  	_ = 	snop;
	(pc) =	sbr.rel @p1 .LBB1_5-.Ltmp2, $1  }
0x29: {  	_ =	sdelay $0x3  }
0x2a: {  	s14 =	simm.s32 $0x1  }
0x2b: {  	_ =	swait.ge [sflag:s4], $0x2000;
	s14 =	simm.s32 @!p0 $0x0  }
0x2c: {  	[sflag:s4] =	ssyncset.done $0x0;
	s15 =	sshll.u32 s14, $0xD  }
0x2d: {  	[sflag:s4] =	ssyncadd.s32 $0xFFFFE000;
	s18 =	sor.u32 $0x20, s15  }
0x2e: {  	s14 =	smul.u32 $0x8100, s14;
	v3 =	vld [tilespmem:s18+$0x10]  }
0x2f: {  	s30 =	sand.u32 $0x1, s11;
	v2 =	vld [tilespmem:s18+$0xFFFFFFF0]  }
0x30: {  	s15 =	smul.u32 $0x8100, s30;
	s14 =	sshrl.u32 s14, $0x2;
	v0 =	vld [tilespmem:s18+$0x0]  }
0x31: {  	v1 =	vld [tilespmem:s18+$0xFFFFFFE0];
	s16 =	sor.u32 $0x4000, s14  }
0x32: {  	s31 =	sshrl.u32 s15, $0x2;
	s15 =	sadd.s32 $0x0, s16  }
0x33: {  	s17 =	simm.s32 $0x4;
	s18 =	sadd.s32 $0x40, s18;
	s14 =	sor.u32 $0x4000, s31;
	[tilespmem:s15+$0x1830 ss:$0x81] =	vst.msk $0xffff, v3  }
.LBB1_3:
0x34: {  	v3 =	vld [tilespmem:s18+$0x10];
	p1 =	sne.s32 s17, $0x1FC;
	[tilespmem:s15+$0x810 ss:$0x81] =	vst.msk $0xffff, v2;
	s19 =	smov.u32 s17;
	s17 =	sadd.s32 $0x4, s17  }
.Ltmp3:
0x35: {  	v2 =	vld [tilespmem:s18+$0xFFFFFFF0];
	[tilespmem:s15+$0x1020 ss:$0x81] =	vst.msk $0xffff, v0;
	(pc) =	sbr.rel @p1 .LBB1_3-.Ltmp3, $4  }
0x36: {  	v0 =	vld [tilespmem:s18+$0x0];
	[tilespmem:s15+$0x0 ss:$0x81] =	vst.msk $0xffff, v1  }
0x37: {  	s15 =	sshra.s32 s19, $0x2;
	v1 =	vld [tilespmem:s18+$0xFFFFFFE0]  }
0x38: {  	s15 =	sadd.s32 s15, s16  }
0x39: {  	s18 =	sadd.s32 $0x40, s18;
	[tilespmem:s15+$0x1830 ss:$0x81] =	vst.msk $0xffff, v3  }
.Ltmp4:
0x3a: {  	_ = 	snop;
	(pc) =	sbr.rel .LBB1_4-.Ltmp4, $1  }
0x3b: {  	_ =	sdelay $0x3  }
.LBB1_6:
0x3c: {  	_ =	sfence.sel $0x180000  }
0x3d: {  	s2 =	simm.s32 $0x1;
	[bflag:$0x0] =	sbarrier.arrive $0xFFFF  }
0x3e: {  	s31 =	simm.s32 $0x2;
	[sflag:s2] =	ssyncpa.u1 $0x1  }
0x3f: {  	[sflag:s31] =	ssyncpa.u1 $0x1  }
0x40: {  	p0 =	sne.s32 s0, $0x0;
	_ =	strace $0x9000004A  }
0x41: {  	s0 =	sadd.s32 @!p0 $0x100000, s1;
	[bflag:$0x2] =	sbarrier.arrive $0xFFFF  }
0x42: {  	[sflag:s0] =	ssyncadd.tile.s32 @!p0 $0x1;
	_ =	shalt  }
.Lfunc_end1:
_tile_overlayer_lowered:
.L_overlay_start_2:
0x43: {  	(tag) =	ssettag $0x2  }
0x44: {  	s0 =	rddreg [dreg:$0x0];
	s2 =	stileid.u32  }
0x45: {  	s1 =	rddreg [dreg:$0x1];
	p0 =	sne.s32 s2, $0x0  }
0x46: {  	s3 =	rddreg [dreg:$0x2];
	[bflag:$0x3] =	sbarrier.arrive $0xFFFF;
	s2 =	simm.s32 @!p0 $0x1C01  }
0x47: {  	[timem:s3], [sflag:s2] =	dma.local @!p0 [hbm:s0], s1  }
0x48: {  	s0 =	simm.s32 @!p0 $0x1  }
0x49: {  	_ =	swait.ge @!p0 [sflag:s0], s1  }
0x4a: {  	s1 =	ssub.s32 @!p0 $0x0, s1;
	[sflag:s0] =	ssyncset.done @!p0 $0x0  }
0x4b: {  	[sflag:s0] =	ssyncadd.s32 @!p0 s1  }
0x4c: {  	[bflag:$0x3] =	sbarrier.arrive $0xFFFF  }
0x4d: {  	_ =	shalt  }

</sc_bundles>
